<compile_context>
chip_gen: v7x
topology: tpu7x:2x2x1
jax: 0.10.2.dev20260603
libtpu: 0.0.44.dev20260713+nightly
codegen_flags: <defaults>
</compile_context>

<pallas_src>
import functools

import jax
import jax.numpy as jnp
from jax import lax
from jax.experimental import pallas as pl
from jax.experimental.pallas import tpu as pltpu
from jax.experimental.pallas import tpu_sc as plsc

MAXP = 100000
D = 64
DP = 128
B_TOTAL = 4096 * 200
NC, NS, L = 2, 16, 16
NW = NC * NS
B_PER_W = B_TOTAL // NW
IDXW = 128
NSLOT = 4
NSTREAM = 2
PART = NSTREAM * IDXW
CHUNK = NSLOT * PART
NCHUNK = B_PER_W // CHUNK
IROWS_PER_W = B_PER_W // IDXW


def _posenc_body(t2, table, out, idx_v, rows_v, isem, gsems, osems):
    wid = lax.axis_index("s") * NC + lax.axis_index("c")
    base = wid * B_PER_W
    irow0 = wid * IROWS_PER_W

    def idx_copy(ci):
        return pltpu.make_async_copy(
            t2.at[pl.ds(irow0 + ci * NSLOT * NSTREAM, NSLOT * NSTREAM)],
            idx_v,
            isem,
        )

    def out_copy(ci, h):
        return pltpu.make_async_copy(
            rows_v.at[h],
            out.at[pl.ds(base + ci * CHUNK + h * PART, PART), pl.ds(0, D)],
            osems[h],
        )

    def fire_gathers(h):
        return [
            pltpu.async_copy(
                table.at[idx_v.at[h * NSTREAM + j]],
                rows_v.at[h, pl.ds(j * IDXW, IDXW)],
                gsems[h],
            )
            for j in range(NSTREAM)
        ]

    def body(ci, carry):
        idx_copy(ci).wait()
        for j in range(NSLOT * NSTREAM):
            for i in range(IDXW // L):
                v = idx_v[j, pl.ds(i * L, L)]
                idx_v[j, pl.ds(i * L, L)] = jnp.where(v == 0, MAXP - 1, v - 1)

        handles = []
        for h in range(NSLOT):
            @pl.when(ci > 0)
            def _(h=h):
                out_copy(ci - 1, h).wait()

            handles.append(fire_gathers(h))

        for h in range(NSLOT):
            for hd in handles[h]:
                hd.wait()
            if h == NSLOT - 1:
                @pl.when(ci < NCHUNK - 1)
                def _():
                    idx_copy(ci + 1).start()

            out_copy(ci, h).start()
        return carry

    idx_copy(0).start()
    lax.fori_loop(0, NCHUNK, body, 0)
    for h in range(NSLOT):
        out_copy(NCHUNK - 1, h).wait()


_posenc_call = functools.partial(
    pl.kernel,
    mesh=plsc.VectorSubcoreMesh(core_axis_name="c", subcore_axis_name="s"),
    out_type=jax.ShapeDtypeStruct((B_TOTAL, DP), jnp.float32),
    scratch_types=[
        pltpu.VMEM((NSLOT * NSTREAM, IDXW), jnp.int32),
        pltpu.VMEM((NSLOT, PART, D), jnp.float32),
        pltpu.SemaphoreType.DMA,
        [pltpu.SemaphoreType.DMA] * NSLOT,
        [pltpu.SemaphoreType.DMA] * NSLOT,
    ],
    compiler_params=pltpu.CompilerParams(use_tc_tiling_on_sc=False),
)(_posenc_body)


@jax.jit
def kernel(t, pos_enc):
    t2 = t.reshape(B_TOTAL // IDXW, IDXW)
    out = _posenc_call(t2, pos_enc)
    return out[:, :D].reshape(t.shape + (D,))

# --- scband reference (transcript-rebuilt; emitter-appended) ---
"""Pipeline reference for scband-pos-enc-85074712199380 (READ-ONLY COPY).

The authoritative reference and input builder live on the scoring server;
editing this copy changes nothing except your own understanding.
"""

import jax, jax.numpy as jnp
import numpy as np

MAX_POS = 100000
EMB_DIM = 64


def make_pos_enc(max_pos, emb_dim):
    pos = jnp.arange(max_pos, dtype=jnp.float32)
    base = max_pos / 0.25 / (2.0 * np.pi)
    divs = base ** (2.0 * jnp.arange(emb_dim // 2, dtype=jnp.float32) / emb_dim)
    phase = pos[:, None] / divs[None, :]
    pe = jnp.zeros((max_pos, emb_dim), dtype=jnp.float32)
    pe = pe.at[:, ::2].set(jnp.sin(phase))
    pe = pe.at[:, 1::2].set(jnp.cos(phase))
    return pe


def setup_inputs(seed: int = 0) -> dict:
    key = jax.random.key(seed)
    t = jax.random.randint(key, (4096, 200), 0, MAX_POS, dtype=jnp.int64 if jax.config.jax_enable_x64 else jnp.int32)
    pos_enc = make_pos_enc(MAX_POS, EMB_DIM)
    return {"t": t, "pos_enc": pos_enc}


def reference(t, pos_enc):
    # Faithful translation of PosEnc.forward: gather rows at index (t - 1).
    # Negative index -1 (when t == 0) wraps to the last row, matching torch semantics.
    return pos_enc[t - 1]

if __name__ == "__main__":
    import jax
    _d = setup_inputs()
    print(jax.jit(kernel)(*tuple(_d.values())))

</pallas_src>

<mosaic_0001>
#map = affine_map<(d0, d1) -> (0, 0)>
module attributes {stable_mosaic.version = 14 : i64} {
  func.func @_posenc_body(%arg0: i32, %arg1: i32, %arg2: memref<6400x128xi32, #tpu.memory_space<hbm>>, %arg3: memref<100000x64xf32, #tpu.memory_space<hbm>>, %arg4: memref<819200x128xf32, #tpu.memory_space<hbm>>, %arg5: memref<8x128xi32, #tpu.memory_space<vmem>>, %arg6: memref<4x256x64xf32, #tpu.memory_space<vmem>>, %arg7: memref<!tpu.dma_semaphore, #tpu.memory_space<semaphore_mem>>, %arg8: memref<!tpu.dma_semaphore, #tpu.memory_space<semaphore_mem>>, %arg9: memref<!tpu.dma_semaphore, #tpu.memory_space<semaphore_mem>>, %arg10: memref<!tpu.dma_semaphore, #tpu.memory_space<semaphore_mem>>, %arg11: memref<!tpu.dma_semaphore, #tpu.memory_space<semaphore_mem>>, %arg12: memref<!tpu.dma_semaphore, #tpu.memory_space<semaphore_mem>>, %arg13: memref<!tpu.dma_semaphore, #tpu.memory_space<semaphore_mem>>, %arg14: memref<!tpu.dma_semaphore, #tpu.memory_space<semaphore_mem>>, %arg15: memref<!tpu.dma_semaphore, #tpu.memory_space<semaphore_mem>>) attributes {dimension_semantics = [#tpu.dimension_semantics<core_parallel>, #tpu.dimension_semantics<subcore_parallel>], iteration_bounds = array<i64: 2, 16>, scalar_prefetch = 0 : i64, scratch_operands = 11 : i64, tpu.core_type = #tpu.core_type<sc_vector_subcore>, window_params = [{transform_indices = #map}, {transform_indices = #map}, {transform_indices = #map}]} {
    %mul3A = arith.constant 2 : i32
    %mul3A_0 = arith.muli %arg1, %mul3A : i32
    %add3A = arith.addi %mul3A_0, %arg0 : i32
    %mul3A_1 = arith.constant 25600 : i32
    %mul3A_2 = arith.muli %add3A, %mul3A_1 : i32
    %mul3A_3 = arith.constant 200 : i32
    %mul3A_4 = arith.muli %add3A, %mul3A_3 : i32
    %add3A_5 = arith.constant 0 : i32
    %add3A_6 = arith.addi %mul3A_4, %add3A_5 : i32
    %dma_start3A = arith.constant 0 : i32
    %dma_start3A_7 = tpu.memref_slice %arg2[%add3A_6, %dma_start3A] : memref<6400x128xi32, #tpu.memory_space<hbm>> -> memref<8x128xi32, #tpu.memory_space<hbm>>
    %dma_start3A_8 = arith.constant 0 : i32
    %dma_start3A_9 = tpu.memref_slice %arg2[%add3A_6, %dma_start3A_8] : memref<6400x128xi32, #tpu.memory_space<hbm>> -> memref<8x128xi32, #tpu.memory_space<hbm>>
    tpu.enqueue_dma source(%dma_start3A_9 : memref<8x128xi32, #tpu.memory_space<hbm>>) target(%arg5 : memref<8x128xi32, #tpu.memory_space<vmem>>) target_semaphore(%arg7 : memref<!tpu.dma_semaphore, #tpu.memory_space<semaphore_mem>>)
    %scan3A = arith.constant 0 : i32
    %scan3A_10 = arith.constant 0 : i32
    %scan3A_11 = arith.constant 25 : i32
    %scan3A_12 = arith.addi %scan3A_10, %scan3A_11 : i32
    %scan3A_13 = arith.constant 1 : i32
    scf.for %scan3A_82 = %scan3A_10 to %scan3A_12 step %scan3A_13  : i32 {
      %mul3A_83 = arith.constant 4 : i32
      %mul3A_84 = arith.muli %scan3A_82, %mul3A_83 : i32
      %mul3A_85 = arith.constant 2 : i32
      %mul3A_86 = arith.muli %mul3A_84, %mul3A_85 : i32
      %add3A_87 = arith.addi %mul3A_4, %mul3A_86 : i32
      %dma_wait3A_88 = arith.constant 0 : i32
      %dma_wait3A_89 = tpu.memref_slice %arg2[%add3A_87, %dma_wait3A_88] : memref<6400x128xi32, #tpu.memory_space<hbm>> -> memref<8x128xi32, #tpu.memory_space<hbm>>
      %dma_wait3A_90 = arith.constant 0 : i32
      %dma_wait3A_91 = tpu.memref_slice %arg2[%add3A_87, %dma_wait3A_90] : memref<6400x128xi32, #tpu.memory_space<hbm>> -> memref<8x128xi32, #tpu.memory_space<hbm>>
      tpu.wait_dma2 semaphore(%arg7 : memref<!tpu.dma_semaphore, #tpu.memory_space<semaphore_mem>>) src(%dma_wait3A_91 : memref<8x128xi32, #tpu.memory_space<hbm>>) dst(%arg5 : memref<8x128xi32, #tpu.memory_space<vmem>>)
      %get3A = arith.constant 0 : i32
      %get3A_92 = arith.index_cast %get3A : i32 to index
      %get3A_93 = arith.constant 0 : index
      %get3A_94 = tpu.vector_load %arg5[%get3A_92, %get3A_93] {strides = array<i32>} : memref<8x128xi32, #tpu.memory_space<vmem>>, vector<1x16xi32>,
      %get3A_95 = vector.shape_cast %get3A_94 : vector<1x16xi32> to vector<16xi32>
      %eq3A = arith.constant 0 : i32
      %eq3A_96 = vector.broadcast %eq3A : i32 to vector<16xi32>
      %eq3A_97 = arith.cmpi eq, %get3A_95, %eq3A_96 : vector<16xi32>
      %sub3A = arith.constant 1 : i32
      %sub3A_98 = vector.broadcast %sub3A : i32 to vector<16xi32>
      %sub3A_99 = arith.subi %get3A_95, %sub3A_98 : vector<16xi32>
      %jit3A = arith.constant 99999 : i32
      %broadcast_in_dim3A = vector.broadcast %jit3A : i32 to vector<16xi32>
      %select_n3A = arith.select %eq3A_97, %broadcast_in_dim3A, %sub3A_99 : vector<16xi1>, vector<16xi32>
      %swap3A = arith.constant 0 : i32
      %swap3A_100 = arith.index_cast %swap3A : i32 to index
      %swap3A_101 = arith.constant 0 : index
      %swap3A_102 = tpu.vector_load %arg5[%swap3A_100, %swap3A_101] {strides = array<i32>} : memref<8x128xi32, #tpu.memory_space<vmem>>, vector<1x16xi32>,
      %swap3A_103 = vector.shape_cast %swap3A_102 : vector<1x16xi32> to vector<16xi32>
      %swap3A_104 = vector.shape_cast %select_n3A : vector<16xi32> to vector<1x16xi32>
      tpu.vector_store %arg5[%swap3A_100, %swap3A_101], %swap3A_104 {strides = array<i32>} : memref<8x128xi32, #tpu.memory_space<vmem>>, vector<1x16xi32>,
      %get3A_105 = arith.constant 0 : i32
      %get3A_106 = arith.index_cast %get3A_105 : i32 to index
      %get3A_107 = arith.constant 16 : index
      %get3A_108 = tpu.vector_load %arg5[%get3A_106, %get3A_107] {strides = array<i32>} : memref<8x128xi32, #tpu.memory_space<vmem>>, vector<1x16xi32>,
      %get3A_109 = vector.shape_cast %get3A_108 : vector<1x16xi32> to vector<16xi32>
      %eq3A_110 = arith.constant 0 : i32
      %eq3A_111 = vector.broadcast %eq3A_110 : i32 to vector<16xi32>
      %eq3A_112 = arith.cmpi eq, %get3A_109, %eq3A_111 : vector<16xi32>
      %sub3A_113 = arith.constant 1 : i32
      %sub3A_114 = vector.broadcast %sub3A_113 : i32 to vector<16xi32>
      %sub3A_115 = arith.subi %get3A_109, %sub3A_114 : vector<16xi32>
      %jit3A_116 = arith.constant 99999 : i32
      %broadcast_in_dim3A_117 = vector.broadcast %jit3A_116 : i32 to vector<16xi32>
      %select_n3A_118 = arith.select %eq3A_112, %broadcast_in_dim3A_117, %sub3A_115 : vector<16xi1>, vector<16xi32>
      %swap3A_119 = arith.constant 0 : i32
      %swap3A_120 = arith.index_cast %swap3A_119 : i32 to index
      %swap3A_121 = arith.constant 16 : index
      %swap3A_122 = tpu.vector_load %arg5[%swap3A_120, %swap3A_121] {strides = array<i32>} : memref<8x128xi32, #tpu.memory_space<vmem>>, vector<1x16xi32>,
      %swap3A_123 = vector.shape_cast %swap3A_122 : vector<1x16xi32> to vector<16xi32>
      %swap3A_124 = vector.shape_cast %select_n3A_118 : vector<16xi32> to vector<1x16xi32>
      tpu.vector_store %arg5[%swap3A_120, %swap3A_121], %swap3A_124 {strides = array<i32>} : memref<8x128xi32, #tpu.memory_space<vmem>>, vector<1x16xi32>,
      %get3A_125 = arith.constant 0 : i32
      %get3A_126 = arith.index_cast %get3A_125 : i32 to index
      %get3A_127 = arith.constant 32 : index
      %get3A_128 = tpu.vector_load %arg5[%get3A_126, %get3A_127] {strides = array<i32>} : memref<8x128xi32, #tpu.memory_space<vmem>>, vector<1x16xi32>,
      %get3A_129 = vector.shape_cast %get3A_128 : vector<1x16xi32> to vector<16xi32>
      %eq3A_130 = arith.constant 0 : i32
      %eq3A_131 = vector.broadcast %eq3A_130 : i32 to vector<16xi32>
      %eq3A_132 = arith.cmpi eq, %get3A_129, %eq3A_131 : vector<16xi32>
      %sub3A_133 = arith.constant 1 : i32
      %sub3A_134 = vector.broadcast %sub3A_133 : i32 to vector<16xi32>
      %sub3A_135 = arith.subi %get3A_129, %sub3A_134 : vector<16xi32>
      %jit3A_136 = arith.constant 99999 : i32
      %broadcast_in_dim3A_137 = vector.broadcast %jit3A_136 : i32 to vector<16xi32>
      %select_n3A_138 = arith.select %eq3A_132, %broadcast_in_dim3A_137, %sub3A_135 : vector<16xi1>, vector<16xi32>
      %swap3A_139 = arith.constant 0 : i32
      %swap3A_140 = arith.index_cast %swap3A_139 : i32 to index
      %swap3A_141 = arith.constant 32 : index
      %swap3A_142 = tpu.vector_load %arg5[%swap3A_140, %swap3A_141] {strides = array<i32>} : memref<8x128xi32, #tpu.memory_space<vmem>>, vector<1x16xi32>,
      %swap3A_143 = vector.shape_cast %swap3A_142 : vector<1x16xi32> to vector<16xi32>
      %swap3A_144 = vector.shape_cast %select_n3A_138 : vector<16xi32> to vector<1x16xi32>
      tpu.vector_store %arg5[%swap3A_140, %swap3A_141], %swap3A_144 {strides = array<i32>} : memref<8x128xi32, #tpu.memory_space<vmem>>, vector<1x16xi32>,
      %get3A_145 = arith.constant 0 : i32
      %get3A_146 = arith.index_cast %get3A_145 : i32 to index
      %get3A_147 = arith.constant 48 : index
      %get3A_148 = tpu.vector_load %arg5[%get3A_146, %get3A_147] {strides = array<i32>} : memref<8x128xi32, #tpu.memory_space<vmem>>, vector<1x16xi32>,
      %get3A_149 = vector.shape_cast %get3A_148 : vector<1x16xi32> to vector<16xi32>
      %eq3A_150 = arith.constant 0 : i32
      %eq3A_151 = vector.broadcast %eq3A_150 : i32 to vector<16xi32>
      %eq3A_152 = arith.cmpi eq, %get3A_149, %eq3A_151 : vector<16xi32>
      %sub3A_153 = arith.constant 1 : i32
      %sub3A_154 = vector.broadcast %sub3A_153 : i32 to vector<16xi32>
      %sub3A_155 = arith.subi %get3A_149, %sub3A_154 : vector<16xi32>
      %jit3A_156 = arith.constant 99999 : i32
      %broadcast_in_dim3A_157 = vector.broadcast %jit3A_156 : i32 to vector<16xi32>
      %select_n3A_158 = arith.select %eq3A_152, %broadcast_in_dim3A_157, %sub3A_155 : vector<16xi1>, vector<16xi32>
      %swap3A_159 = arith.constant 0 : i32
      %swap3A_160 = arith.index_cast %swap3A_159 : i32 to index
      %swap3A_161 = arith.constant 48 : index
      %swap3A_162 = tpu.vector_load %arg5[%swap3A_160, %swap3A_161] {strides = array<i32>} : memref<8x128xi32, #tpu.memory_space<vmem>>, vector<1x16xi32>,
      %swap3A_163 = vector.shape_cast %swap3A_162 : vector<1x16xi32> to vector<16xi32>
      %swap3A_164 = vector.shape_cast %select_n3A_158 : vector<16xi32> to vector<1x16xi32>
      tpu.vector_store %arg5[%swap3A_160, %swap3A_161], %swap3A_164 {strides = array<i32>} : memref<8x128xi32, #tpu.memory_space<vmem>>, vector<1x16xi32>,
      %get3A_165 = arith.constant 0 : i32
      %get3A_166 = arith.index_cast %get3A_165 : i32 to index
      %get3A_167 = arith.constant 64 : index
      %get3A_168 = tpu.vector_load %arg5[%get3A_166, %get3A_167] {strides = array<i32>} : memref<8x128xi32, #tpu.memory_space<vmem>>, vector<1x16xi32>,
      %get3A_169 = vector.shape_cast %get3A_168 : vector<1x16xi32> to vector<16xi32>
      %eq3A_170 = arith.constant 0 : i32
      %eq3A_171 = vector.broadcast %eq3A_170 : i32 to vector<16xi32>
      %eq3A_172 = arith.cmpi eq, %get3A_169, %eq3A_171 : vector<16xi32>
      %sub3A_173 = arith.constant 1 : i32
      %sub3A_174 = vector.broadcast %sub3A_173 : i32 to vector<16xi32>
      %sub3A_175 = arith.subi %get3A_169, %sub3A_174 : vector<16xi32>
      %jit3A_176 = arith.constant 99999 : i32
      %broadcast_in_dim3A_177 = vector.broadcast %jit3A_176 : i32 to vector<16xi32>
      %select_n3A_178 = arith.select %eq3A_172, %broadcast_in_dim3A_177, %sub3A_175 : vector<16xi1>, vector<16xi32>
      %swap3A_179 = arith.constant 0 : i32
      %swap3A_180 = arith.index_cast %swap3A_179 : i32 to index
      %swap3A_181 = arith.constant 64 : index
      %swap3A_182 = tpu.vector_load %arg5[%swap3A_180, %swap3A_181] {strides = array<i32>} : memref<8x128xi32, #tpu.memory_space<vmem>>, vector<1x16xi32>,
      %swap3A_183 = vector.shape_cast %swap3A_182 : vector<1x16xi32> to vector<16xi32>
      %swap3A_184 = vector.shape_cast %select_n3A_178 : vector<16xi32> to vector<1x16xi32>
      tpu.vector_store %arg5[%swap3A_180, %swap3A_181], %swap3A_184 {strides = array<i32>} : memref<8x128xi32, #tpu.memory_space<vmem>>, vector<1x16xi32>,
      %get3A_185 = arith.constant 0 : i32
      %get3A_186 = arith.index_cast %get3A_185 : i32 to index
      %get3A_187 = arith.constant 80 : index
      %get3A_188 = tpu.vector_load %arg5[%get3A_186, %get3A_187] {strides = array<i32>} : memref<8x128xi32, #tpu.memory_space<vmem>>, vector<1x16xi32>,
      %get3A_189 = vector.shape_cast %get3A_188 : vector<1x16xi32> to vector<16xi32>
      %eq3A_190 = arith.constant 0 : i32
      %eq3A_191 = vector.broadcast %eq3A_190 : i32 to vector<16xi32>
      %eq3A_192 = arith.cmpi eq, %get3A_189, %eq3A_191 : vector<16xi32>
      %sub3A_193 = arith.constant 1 : i32
      %sub3A_194 = vector.broadcast %sub3A_193 : i32 to vector<16xi32>
      %sub3A_195 = arith.subi %get3A_189, %sub3A_194 : vector<16xi32>
      %jit3A_196 = arith.constant 99999 : i32
      %broadcast_in_dim3A_197 = vector.broadcast %jit3A_196 : i32 to vector<16xi32>
      %select_n3A_198 = arith.select %eq3A_192, %broadcast_in_dim3A_197, %sub3A_195 : vector<16xi1>, vector<16xi32>
      %swap3A_199 = arith.constant 0 : i32
      %swap3A_200 = arith.index_cast %swap3A_199 : i32 to index
      %swap3A_201 = arith.constant 80 : index
      %swap3A_202 = tpu.vector_load %arg5[%swap3A_200, %swap3A_201] {strides = array<i32>} : memref<8x128xi32, #tpu.memory_space<vmem>>, vector<1x16xi32>,
      %swap3A_203 = vector.shape_cast %swap3A_202 : vector<1x16xi32> to vector<16xi32>
      %swap3A_204 = vector.shape_cast %select_n3A_198 : vector<16xi32> to vector<1x16xi32>
      tpu.vector_store %arg5[%swap3A_200, %swap3A_201], %swap3A_204 {strides = array<i32>} : memref<8x128xi32, #tpu.memory_space<vmem>>, vector<1x16xi32>,
      %get3A_205 = arith.constant 0 : i32
      %get3A_206 = arith.index_cast %get3A_205 : i32 to index
      %get3A_207 = arith.constant 96 : index
      %get3A_208 = tpu.vector_load %arg5[%get3A_206, %get3A_207] {strides = array<i32>} : memref<8x128xi32, #tpu.memory_space<vmem>>, vector<1x16xi32>,
      %get3A_209 = vector.shape_cast %get3A_208 : vector<1x16xi32> to vector<16xi32>
      %eq3A_210 = arith.constant 0 : i32
      %eq3A_211 = vector.broadcast %eq3A_210 : i32 to vector<16xi32>
      %eq3A_212 = arith.cmpi eq, %get3A_209, %eq3A_211 : vector<16xi32>
      %sub3A_213 = arith.constant 1 : i32
      %sub3A_214 = vector.broadcast %sub3A_213 : i32 to vector<16xi32>
      %sub3A_215 = arith.subi %get3A_209, %sub3A_214 : vector<16xi32>
      %jit3A_216 = arith.constant 99999 : i32
      %broadcast_in_dim3A_217 = vector.broadcast %jit3A_216 : i32 to vector<16xi32>
      %select_n3A_218 = arith.select %eq3A_212, %broadcast_in_dim3A_217, %sub3A_215 : vector<16xi1>, vector<16xi32>
      %swap3A_219 = arith.constant 0 : i32
      %swap3A_220 = arith.index_cast %swap3A_219 : i32 to index
      %swap3A_221 = arith.constant 96 : index
      %swap3A_222 = tpu.vector_load %arg5[%swap3A_220, %swap3A_221] {strides = array<i32>} : memref<8x128xi32, #tpu.memory_space<vmem>>, vector<1x16xi32>,
      %swap3A_223 = vector.shape_cast %swap3A_222 : vector<1x16xi32> to vector<16xi32>
      %swap3A_224 = vector.shape_cast %select_n3A_218 : vector<16xi32> to vector<1x16xi32>
      tpu.vector_store %arg5[%swap3A_220, %swap3A_221], %swap3A_224 {strides = array<i32>} : memref<8x128xi32, #tpu.memory_space<vmem>>, vector<1x16xi32>,
      %get3A_225 = arith.constant 0 : i32
      %get3A_226 = arith.index_cast %get3A_225 : i32 to index
      %get3A_227 = arith.constant 112 : index
      %get3A_228 = tpu.vector_load %arg5[%get3A_226, %get3A_227] {strides = array<i32>} : memref<8x128xi32, #tpu.memory_space<vmem>>, vector<1x16xi32>,
      %get3A_229 = vector.shape_cast %get3A_228 : vector<1x16xi32> to vector<16xi32>
      %eq3A_230 = arith.constant 0 : i32
      %eq3A_231 = vector.broadcast %eq3A_230 : i32 to vector<16xi32>
      %eq3A_232 = arith.cmpi eq, %get3A_229, %eq3A_231 : vector<16xi32>
      %sub3A_233 = arith.constant 1 : i32
      %sub3A_234 = vector.broadcast %sub3A_233 : i32 to vector<16xi32>
      %sub3A_235 = arith.subi %get3A_229, %sub3A_234 : vector<16xi32>
      %jit3A_236 = arith.constant 99999 : i32
      %broadcast_in_dim3A_237 = vector.broadcast %jit3A_236 : i32 to vector<16xi32>
      %select_n3A_238 = arith.select %eq3A_232, %broadcast_in_dim3A_237, %sub3A_235 : vector<16xi1>, vector<16xi32>
      %swap3A_239 = arith.constant 0 : i32
      %swap3A_240 = arith.index_cast %swap3A_239 : i32 to index
      %swap3A_241 = arith.constant 112 : index
      %swap3A_242 = tpu.vector_load %arg5[%swap3A_240, %swap3A_241] {strides = array<i32>} : memref<8x128xi32, #tpu.memory_space<vmem>>, vector<1x16xi32>,
      %swap3A_243 = vector.shape_cast %swap3A_242 : vector<1x16xi32> to vector<16xi32>
      %swap3A_244 = vector.shape_cast %select_n3A_238 : vector<16xi32> to vector<1x16xi32>
      tpu.vector_store %arg5[%swap3A_240, %swap3A_241], %swap3A_244 {strides = array<i32>} : memref<8x128xi32, #tpu.memory_space<vmem>>, vector<1x16xi32>,
      %get3A_245 = arith.constant 1 : i32
      %get3A_246 = arith.index_cast %get3A_245 : i32 to index
      %get3A_247 = arith.constant 0 : index
      %get3A_248 = tpu.vector_load %arg5[%get3A_246, %get3A_247] {strides = array<i32>} : memref<8x128xi32, #tpu.memory_space<vmem>>, vector<1x16xi32>,
      %get3A_249 = vector.shape_cast %get3A_248 : vector<1x16xi32> to vector<16xi32>
      %eq3A_250 = arith.constant 0 : i32
      %eq3A_251 = vector.broadcast %eq3A_250 : i32 to vector<16xi32>
      %eq3A_252 = arith.cmpi eq, %get3A_249, %eq3A_251 : vector<16xi32>
      %sub3A_253 = arith.constant 1 : i32
      %sub3A_254 = vector.broadcast %sub3A_253 : i32 to vector<16xi32>
      %sub3A_255 = arith.subi %get3A_249, %sub3A_254 : vector<16xi32>
      %jit3A_256 = arith.constant 99999 : i32
      %broadcast_in_dim3A_257 = vector.broadcast %jit3A_256 : i32 to vector<16xi32>
      %select_n3A_258 = arith.select %eq3A_252, %broadcast_in_dim3A_257, %sub3A_255 : vector<16xi1>, vector<16xi32>
      %swap3A_259 = arith.constant 1 : i32
      %swap3A_260 = arith.index_cast %swap3A_259 : i32 to index
      %swap3A_261 = arith.constant 0 : index
      %swap3A_262 = tpu.vector_load %arg5[%swap3A_260, %swap3A_261] {strides = array<i32>} : memref<8x128xi32, #tpu.memory_space<vmem>>, vector<1x16xi32>,
      %swap3A_263 = vector.shape_cast %swap3A_262 : vector<1x16xi32> to vector<16xi32>
      %swap3A_264 = vector.shape_cast %select_n3A_258 : vector<16xi32> to vector<1x16xi32>
      tpu.vector_store %arg5[%swap3A_260, %swap3A_261], %swap3A_264 {strides = array<i32>} : memref<8x128xi32, #tpu.memory_space<vmem>>, vector<1x16xi32>,
      %get3A_265 = arith.constant 1 : i32
      %get3A_266 = arith.index_cast %get3A_265 : i32 to index
      %get3A_267 = arith.constant 16 : index
      %get3A_268 = tpu.vector_load %arg5[%get3A_266, %get3A_267] {strides = array<i32>} : memref<8x128xi32, #tpu.memory_space<vmem>>, vector<1x16xi32>,
      %get3A_269 = vector.shape_cast %get3A_268 : vector<1x16xi32> to vector<16xi32>
      %eq3A_270 = arith.constant 0 : i32
      %eq3A_271 = vector.broadcast %eq3A_270 : i32 to vector<16xi32>
      %eq3A_272 = arith.cmpi eq, %get3A_269, %eq3A_271 : vector<16xi32>
      %sub3A_273 = arith.constant 1 : i32
      %sub3A_274 = vector.broadcast %sub3A_273 : i32 to vector<16xi32>
      %sub3A_275 = arith.subi %get3A_269, %sub3A_274 : vector<16xi32>
      %jit3A_276 = arith.constant 99999 : i32
      %broadcast_in_dim3A_277 = vector.broadcast %jit3A_276 : i32 to vector<16xi32>
      %select_n3A_278 = arith.select %eq3A_272, %broadcast_in_dim3A_277, %sub3A_275 : vector<16xi1>, vector<16xi32>
      %swap3A_279 = arith.constant 1 : i32
      %swap3A_280 = arith.index_cast %swap3A_279 : i32 to index
      %swap3A_281 = arith.constant 16 : index
      %swap3A_282 = tpu.vector_load %arg5[%swap3A_280, %swap3A_281] {strides = array<i32>} : memref<8x128xi32, #tpu.memory_space<vmem>>, vector<1x16xi32>,
      %swap3A_283 = vector.shape_cast %swap3A_282 : vector<1x16xi32> to vector<16xi32>
      %swap3A_284 = vector.shape_cast %select_n3A_278 : vector<16xi32> to vector<1x16xi32>
      tpu.vector_store %arg5[%swap3A_280, %swap3A_281], %swap3A_284 {strides = array<i32>} : memref<8x128xi32, #tpu.memory_space<vmem>>, vector<1x16xi32>,
      %get3A_285 = arith.constant 1 : i32
      %get3A_286 = arith.index_cast %get3A_285 : i32 to index
      %get3A_287 = arith.constant 32 : index
      %get3A_288 = tpu.vector_load %arg5[%get3A_286, %get3A_287] {strides = array<i32>} : memref<8x128xi32, #tpu.memory_space<vmem>>, vector<1x16xi32>,
      %get3A_289 = vector.shape_cast %get3A_288 : vector<1x16xi32> to vector<16xi32>
      %eq3A_290 = arith.constant 0 : i32
      %eq3A_291 = vector.broadcast %eq3A_290 : i32 to vector<16xi32>
      %eq3A_292 = arith.cmpi eq, %get3A_289, %eq3A_291 : vector<16xi32>
      %sub3A_293 = arith.constant 1 : i32
      %sub3A_294 = vector.broadcast %sub3A_293 : i32 to vector<16xi32>
      %sub3A_295 = arith.subi %get3A_289, %sub3A_294 : vector<16xi32>
      %jit3A_296 = arith.constant 99999 : i32
      %broadcast_in_dim3A_297 = vector.broadcast %jit3A_296 : i32 to vector<16xi32>
      %select_n3A_298 = arith.select %eq3A_292, %broadcast_in_dim3A_297, %sub3A_295 : vector<16xi1>, vector<16xi32>
      %swap3A_299 = arith.constant 1 : i32
      %swap3A_300 = arith.index_cast %swap3A_299 : i32 to index
      %swap3A_301 = arith.constant 32 : index
      %swap3A_302 = tpu.vector_load %arg5[%swap3A_300, %swap3A_301] {strides = array<i32>} : memref<8x128xi32, #tpu.memory_space<vmem>>, vector<1x16xi32>,
      %swap3A_303 = vector.shape_cast %swap3A_302 : vector<1x16xi32> to vector<16xi32>
      %swap3A_304 = vector.shape_cast %select_n3A_298 : vector<16xi32> to vector<1x16xi32>
      tpu.vector_store %arg5[%swap3A_300, %swap3A_301], %swap3A_304 {strides = array<i32>} : memref<8x128xi32, #tpu.memory_space<vmem>>, vector<1x16xi32>,
      %get3A_305 = arith.constant 1 : i32
      %get3A_306 = arith.index_cast %get3A_305 : i32 to index
      %get3A_307 = arith.constant 48 : index
      %get3A_308 = tpu.vector_load %arg5[%get3A_306, %get3A_307] {strides = array<i32>} : memref<8x128xi32, #tpu.memory_space<vmem>>, vector<1x16xi32>,
      %get3A_309 = vector.shape_cast %get3A_308 : vector<1x16xi32> to vector<16xi32>
      %eq3A_310 = arith.constant 0 : i32
      %eq3A_311 = vector.broadcast %eq3A_310 : i32 to vector<16xi32>
      %eq3A_312 = arith.cmpi eq, %get3A_309, %eq3A_311 : vector<16xi32>
      %sub3A_313 = arith.constant 1 : i32
      %sub3A_314 = vector.broadcast %sub3A_313 : i32 to vector<16xi32>
      %sub3A_315 = arith.subi %get3A_309, %sub3A_314 : vector<16xi32>
      %jit3A_316 = arith.constant 99999 : i32
      %broadcast_in_dim3A_317 = vector.broadcast %jit3A_316 : i32 to vector<16xi32>
      %select_n3A_318 = arith.select %eq3A_312, %broadcast_in_dim3A_317, %sub3A_315 : vector<16xi1>, vector<16xi32>
      %swap3A_319 = arith.constant 1 : i32
      %swap3A_320 = arith.index_cast %swap3A_319 : i32 to index
      %swap3A_321 = arith.constant 48 : index
      %swap3A_322 = tpu.vector_load %arg5[%swap3A_320, %swap3A_321] {strides = array<i32>} : memref<8x128xi32, #tpu.memory_space<vmem>>, vector<1x16xi32>,
      %swap3A_323 = vector.shape_cast %swap3A_322 : vector<1x16xi32> to vector<16xi32>
      %swap3A_324 = vector.shape_cast %select_n3A_318 : vector<16xi32> to vector<1x16xi32>
      tpu.vector_store %arg5[%swap3A_320, %swap3A_321], %swap3A_324 {strides = array<i32>} : memref<8x128xi32, #tpu.memory_space<vmem>>, vector<1x16xi32>,
      %get3A_325 = arith.constant 1 : i32
      %get3A_326 = arith.index_cast %get3A_325 : i32 to index
      %get3A_327 = arith.constant 64 : index
      %get3A_328 = tpu.vector_load %arg5[%get3A_326, %get3A_327] {strides = array<i32>} : memref<8x128xi32, #tpu.memory_space<vmem>>, vector<1x16xi32>,
      %get3A_329 = vector.shape_cast %get3A_328 : vector<1x16xi32> to vector<16xi32>
      %eq3A_330 = arith.constant 0 : i32
      %eq3A_331 = vector.broadcast %eq3A_330 : i32 to vector<16xi32>
      %eq3A_332 = arith.cmpi eq, %get3A_329, %eq3A_331 : vector<16xi32>
      %sub3A_333 = arith.constant 1 : i32
      %sub3A_334 = vector.broadcast %sub3A_333 : i32 to vector<16xi32>
      %sub3A_335 = arith.subi %get3A_329, %sub3A_334 : vector<16xi32>
      %jit3A_336 = arith.constant 99999 : i32
      %broadcast_in_dim3A_337 = vector.broadcast %jit3A_336 : i32 to vector<16xi32>
      %select_n3A_338 = arith.select %eq3A_332, %broadcast_in_dim3A_337, %sub3A_335 : vector<16xi1>, vector<16xi32>
      %swap3A_339 = arith.constant 1 : i32
      %swap3A_340 = arith.index_cast %swap3A_339 : i32 to index
      %swap3A_341 = arith.constant 64 : index
      %swap3A_342 = tpu.vector_load %arg5[%swap3A_340, %swap3A_341] {strides = array<i32>} : memref<8x128xi32, #tpu.memory_space<vmem>>, vector<1x16xi32>,
      %swap3A_343 = vector.shape_cast %swap3A_342 : vector<1x16xi32> to vector<16xi32>
      %swap3A_344 = vector.shape_cast %select_n3A_338 : vector<16xi32> to vector<1x16xi32>
      tpu.vector_store %arg5[%swap3A_340, %swap3A_341], %swap3A_344 {strides = array<i32>} : memref<8x128xi32, #tpu.memory_space<vmem>>, vector<1x16xi32>,
      %get3A_345 = arith.constant 1 : i32
      %get3A_346 = arith.index_cast %get3A_345 : i32 to index
      %get3A_347 = arith.constant 80 : index
      %get3A_348 = tpu.vector_load %arg5[%get3A_346, %get3A_347] {strides = array<i32>} : memref<8x128xi32, #tpu.memory_space<vmem>>, vector<1x16xi32>,
      %get3A_349 = vector.shape_cast %get3A_348 : vector<1x16xi32> to vector<16xi32>
      %eq3A_350 = arith.constant 0 : i32
      %eq3A_351 = vector.broadcast %eq3A_350 : i32 to vector<16xi32>
      %eq3A_352 = arith.cmpi eq, %get3A_349, %eq3A_351 : vector<16xi32>
      %sub3A_353 = arith.constant 1 : i32
      %sub3A_354 = vector.broadcast %sub3A_353 : i32 to vector<16xi32>
      %sub3A_355 = arith.subi %get3A_349, %sub3A_354 : vector<16xi32>
      %jit3A_356 = arith.constant 99999 : i32
      %broadcast_in_dim3A_357 = vector.broadcast %jit3A_356 : i32 to vector<16xi32>
      %select_n3A_358 = arith.select %eq3A_352, %broadcast_in_dim3A_357, %sub3A_355 : vector<16xi1>, vector<16xi32>
      %swap3A_359 = arith.constant 1 : i32
      %swap3A_360 = arith.index_cast %swap3A_359 : i32 to index
      %swap3A_361 = arith.constant 80 : index
      %swap3A_362 = tpu.vector_load %arg5[%swap3A_360, %swap3A_361] {strides = array<i32>} : memref<8x128xi32, #tpu.memory_space<vmem>>, vector<1x16xi32>,
      %swap3A_363 = vector.shape_cast %swap3A_362 : vector<1x16xi32> to vector<16xi32>
      %swap3A_364 = vector.shape_cast %select_n3A_358 : vector<16xi32> to vector<1x16xi32>
      tpu.vector_store %arg5[%swap3A_360, %swap3A_361], %swap3A_364 {strides = array<i32>} : memref<8x128xi32, #tpu.memory_space<vmem>>, vector<1x16xi32>,
      %get3A_365 = arith.constant 1 : i32
      %get3A_366 = arith.index_cast %get3A_365 : i32 to index
      %get3A_367 = arith.constant 96 : index
      %get3A_368 = tpu.vector_load %arg5[%get3A_366, %get3A_367] {strides = array<i32>} : memref<8x128xi32, #tpu.memory_space<vmem>>, vector<1x16xi32>,
      %get3A_369 = vector.shape_cast %get3A_368 : vector<1x16xi32> to vector<16xi32>
      %eq3A_370 = arith.constant 0 : i32
      %eq3A_371 = vector.broadcast %eq3A_370 : i32 to vector<16xi32>
      %eq3A_372 = arith.cmpi eq, %get3A_369, %eq3A_371 : vector<16xi32>
      %sub3A_373 = arith.constant 1 : i32
      %sub3A_374 = vector.broadcast %sub3A_373 : i32 to vector<16xi32>
      %sub3A_375 = arith.subi %get3A_369, %sub3A_374 : vector<16xi32>
      %jit3A_376 = arith.constant 99999 : i32
      %broadcast_in_dim3A_377 = vector.broadcast %jit3A_376 : i32 to vector<16xi32>
      %select_n3A_378 = arith.select %eq3A_372, %broadcast_in_dim3A_377, %sub3A_375 : vector<16xi1>, vector<16xi32>
      %swap3A_379 = arith.constant 1 : i32
      %swap3A_380 = arith.index_cast %swap3A_379 : i32 to index
      %swap3A_381 = arith.constant 96 : index
      %swap3A_382 = tpu.vector_load %arg5[%swap3A_380, %swap3A_381] {strides = array<i32>} : memref<8x128xi32, #tpu.memory_space<vmem>>, vector<1x16xi32>,
      %swap3A_383 = vector.shape_cast %swap3A_382 : vector<1x16xi32> to vector<16xi32>
      %swap3A_384 = vector.shape_cast %select_n3A_378 : vector<16xi32> to vector<1x16xi32>
      tpu.vector_store %arg5[%swap3A_380, %swap3A_381], %swap3A_384 {strides = array<i32>} : memref<8x128xi32, #tpu.memory_space<vmem>>, vector<1x16xi32>,
      %get3A_385 = arith.constant 1 : i32
      %get3A_386 = arith.index_cast %get3A_385 : i32 to index
      %get3A_387 = arith.constant 112 : index
      %get3A_388 = tpu.vector_load %arg5[%get3A_386, %get3A_387] {strides = array<i32>} : memref<8x128xi32, #tpu.memory_space<vmem>>, vector<1x16xi32>,
      %get3A_389 = vector.shape_cast %get3A_388 : vector<1x16xi32> to vector<16xi32>
      %eq3A_390 = arith.constant 0 : i32
      %eq3A_391 = vector.broadcast %eq3A_390 : i32 to vector<16xi32>
      %eq3A_392 = arith.cmpi eq, %get3A_389, %eq3A_391 : vector<16xi32>
      %sub3A_393 = arith.constant 1 : i32
      %sub3A_394 = vector.broadcast %sub3A_393 : i32 to vector<16xi32>
      %sub3A_395 = arith.subi %get3A_389, %sub3A_394 : vector<16xi32>
      %jit3A_396 = arith.constant 99999 : i32
      %broadcast_in_dim3A_397 = vector.broadcast %jit3A_396 : i32 to vector<16xi32>
      %select_n3A_398 = arith.select %eq3A_392, %broadcast_in_dim3A_397, %sub3A_395 : vector<16xi1>, vector<16xi32>
      %swap3A_399 = arith.constant 1 : i32
      %swap3A_400 = arith.index_cast %swap3A_399 : i32 to index
      %swap3A_401 = arith.constant 112 : index
      %swap3A_402 = tpu.vector_load %arg5[%swap3A_400, %swap3A_401] {strides = array<i32>} : memref<8x128xi32, #tpu.memory_space<vmem>>, vector<1x16xi32>,
      %swap3A_403 = vector.shape_cast %swap3A_402 : vector<1x16xi32> to vector<16xi32>
      %swap3A_404 = vector.shape_cast %select_n3A_398 : vector<16xi32> to vector<1x16xi32>
      tpu.vector_store %arg5[%swap3A_400, %swap3A_401], %swap3A_404 {strides = array<i32>} : memref<8x128xi32, #tpu.memory_space<vmem>>, vector<1x16xi32>,
      %get3A_405 = arith.constant 2 : i32
      %get3A_406 = arith.index_cast %get3A_405 : i32 to index
      %get3A_407 = arith.constant 0 : index
      %get3A_408 = tpu.vector_load %arg5[%get3A_406, %get3A_407] {strides = array<i32>} : memref<8x128xi32, #tpu.memory_space<vmem>>, vector<1x16xi32>,
      %get3A_409 = vector.shape_cast %get3A_408 : vector<1x16xi32> to vector<16xi32>
      %eq3A_410 = arith.constant 0 : i32
      %eq3A_411 = vector.broadcast %eq3A_410 : i32 to vector<16xi32>
      %eq3A_412 = arith.cmpi eq, %get3A_409, %eq3A_411 : vector<16xi32>
      %sub3A_413 = arith.constant 1 : i32
      %sub3A_414 = vector.broadcast %sub3A_413 : i32 to vector<16xi32>
      %sub3A_415 = arith.subi %get3A_409, %sub3A_414 : vector<16xi32>
      %jit3A_416 = arith.constant 99999 : i32
      %broadcast_in_dim3A_417 = vector.broadcast %jit3A_416 : i32 to vector<16xi32>
      %select_n3A_418 = arith.select %eq3A_412, %broadcast_in_dim3A_417, %sub3A_415 : vector<16xi1>, vector<16xi32>
      %swap3A_419 = arith.constant 2 : i32
      %swap3A_420 = arith.index_cast %swap3A_419 : i32 to index
      %swap3A_421 = arith.constant 0 : index
      %swap3A_422 = tpu.vector_load %arg5[%swap3A_420, %swap3A_421] {strides = array<i32>} : memref<8x128xi32, #tpu.memory_space<vmem>>, vector<1x16xi32>,
      %swap3A_423 = vector.shape_cast %swap3A_422 : vector<1x16xi32> to vector<16xi32>
      %swap3A_424 = vector.shape_cast %select_n3A_418 : vector<16xi32> to vector<1x16xi32>
      tpu.vector_store %arg5[%swap3A_420, %swap3A_421], %swap3A_424 {strides = array<i32>} : memref<8x128xi32, #tpu.memory_space<vmem>>, vector<1x16xi32>,
      %get3A_425 = arith.constant 2 : i32
      %get3A_426 = arith.index_cast %get3A_425 : i32 to index
      %get3A_427 = arith.constant 16 : index
      %get3A_428 = tpu.vector_load %arg5[%get3A_426, %get3A_427] {strides = array<i32>} : memref<8x128xi32, #tpu.memory_space<vmem>>, vector<1x16xi32>,
      %get3A_429 = vector.shape_cast %get3A_428 : vector<1x16xi32> to vector<16xi32>
      %eq3A_430 = arith.constant 0 : i32
      %eq3A_431 = vector.broadcast %eq3A_430 : i32 to vector<16xi32>
      %eq3A_432 = arith.cmpi eq, %get3A_429, %eq3A_431 : vector<16xi32>
      %sub3A_433 = arith.constant 1 : i32
      %sub3A_434 = vector.broadcast %sub3A_433 : i32 to vector<16xi32>
      %sub3A_435 = arith.subi %get3A_429, %sub3A_434 : vector<16xi32>
      %jit3A_436 = arith.constant 99999 : i32
      %broadcast_in_dim3A_437 = vector.broadcast %jit3A_436 : i32 to vector<16xi32>
      %select_n3A_438 = arith.select %eq3A_432, %broadcast_in_dim3A_437, %sub3A_435 : vector<16xi1>, vector<16xi32>
      %swap3A_439 = arith.constant 2 : i32
      %swap3A_440 = arith.index_cast %swap3A_439 : i32 to index
      %swap3A_441 = arith.constant 16 : index
      %swap3A_442 = tpu.vector_load %arg5[%swap3A_440, %swap3A_441] {strides = array<i32>} : memref<8x128xi32, #tpu.memory_space<vmem>>, vector<1x16xi32>,
      %swap3A_443 = vector.shape_cast %swap3A_442 : vector<1x16xi32> to vector<16xi32>
      %swap3A_444 = vector.shape_cast %select_n3A_438 : vector<16xi32> to vector<1x16xi32>
      tpu.vector_store %arg5[%swap3A_440, %swap3A_441], %swap3A_444 {strides = array<i32>} : memref<8x128xi32, #tpu.memory_space<vmem>>, vector<1x16xi32>,
      %get3A_445 = arith.constant 2 : i32
      %get3A_446 = arith.index_cast %get3A_445 : i32 to index
      %get3A_447 = arith.constant 32 : index
      %get3A_448 = tpu.vector_load %arg5[%get3A_446, %get3A_447] {strides = array<i32>} : memref<8x128xi32, #tpu.memory_space<vmem>>, vector<1x16xi32>,
      %get3A_449 = vector.shape_cast %get3A_448 : vector<1x16xi32> to vector<16xi32>
      %eq3A_450 = arith.constant 0 : i32
      %eq3A_451 = vector.broadcast %eq3A_450 : i32 to vector<16xi32>
      %eq3A_452 = arith.cmpi eq, %get3A_449, %eq3A_451 : vector<16xi32>
      %sub3A_453 = arith.constant 1 : i32
      %sub3A_454 = vector.broadcast %sub3A_453 : i32 to vector<16xi32>
      %sub3A_455 = arith.subi %get3A_449, %sub3A_454 : vector<16xi32>
      %jit3A_456 = arith.constant 99999 : i32
      %broadcast_in_dim3A_457 = vector.broadcast %jit3A_456 : i32 to vector<16xi32>
      %select_n3A_458 = arith.select %eq3A_452, %broadcast_in_dim3A_457, %sub3A_455 : vector<16xi1>, vector<16xi32>
      %swap3A_459 = arith.constant 2 : i32
      %swap3A_460 = arith.index_cast %swap3A_459 : i32 to index
      %swap3A_461 = arith.constant 32 : index
      %swap3A_462 = tpu.vector_load %arg5[%swap3A_460, %swap3A_461] {strides = array<i32>} : memref<8x128xi32, #tpu.memory_space<vmem>>, vector<1x16xi32>,
      %swap3A_463 = vector.shape_cast %swap3A_462 : vector<1x16xi32> to vector<16xi32>
      %swap3A_464 = vector.shape_cast %select_n3A_458 : vector<16xi32> to vector<1x16xi32>
      tpu.vector_store %arg5[%swap3A_460, %swap3A_461], %swap3A_464 {strides = array<i32>} : memref<8x128xi32, #tpu.memory_space<vmem>>, vector<1x16xi32>,
      %get3A_465 = arith.constant 2 : i32
      %get3A_466 = arith.index_cast %get3A_465 : i32 to index
      %get3A_467 = arith.constant 48 : index
      %get3A_468 = tpu.vector_load %arg5[%get3A_466, %get3A_467] {strides = array<i32>} : memref<8x128xi32, #tpu.memory_space<vmem>>, vector<1x16xi32>,
      %get3A_469 = vector.shape_cast %get3A_468 : vector<1x16xi32> to vector<16xi32>
      %eq3A_470 = arith.constant 0 : i32
      %eq3A_471 = vector.broadcast %eq3A_470 : i32 to vector<16xi32>
      %eq3A_472 = arith.cmpi eq, %get3A_469, %eq3A_471 : vector<16xi32>
      %sub3A_473 = arith.constant 1 : i32
      %sub3A_474 = vector.broadcast %sub3A_473 : i32 to vector<16xi32>
      %sub3A_475 = arith.subi %get3A_469, %sub3A_474 : vector<16xi32>
      %jit3A_476 = arith.constant 99999 : i32
      %broadcast_in_dim3A_477 = vector.broadcast %jit3A_476 : i32 to vector<16xi32>
      %select_n3A_478 = arith.select %eq3A_472, %broadcast_in_dim3A_477, %sub3A_475 : vector<16xi1>, vector<16xi32>
      %swap3A_479 = arith.constant 2 : i32
      %swap3A_480 = arith.index_cast %swap3A_479 : i32 to index
      %swap3A_481 = arith.constant 48 : index
      %swap3A_482 = tpu.vector_load %arg5[%swap3A_480, %swap3A_481] {strides = array<i32>} : memref<8x128xi32, #tpu.memory_space<vmem>>, vector<1x16xi32>,
      %swap3A_483 = vector.shape_cast %swap3A_482 : vector<1x16xi32> to vector<16xi32>
      %swap3A_484 = vector.shape_cast %select_n3A_478 : vector<16xi32> to vector<1x16xi32>
      tpu.vector_store %arg5[%swap3A_480, %swap3A_481], %swap3A_484 {strides = array<i32>} : memref<8x128xi32, #tpu.memory_space<vmem>>, vector<1x16xi32>,
      %get3A_485 = arith.constant 2 : i32
      %get3A_486 = arith.index_cast %get3A_485 : i32 to index
      %get3A_487 = arith.constant 64 : index
      %get3A_488 = tpu.vector_load %arg5[%get3A_486, %get3A_487] {strides = array<i32>} : memref<8x128xi32, #tpu.memory_space<vmem>>, vector<1x16xi32>,
      %get3A_489 = vector.shape_cast %get3A_488 : vector<1x16xi32> to vector<16xi32>
      %eq3A_490 = arith.constant 0 : i32
      %eq3A_491 = vector.broadcast %eq3A_490 : i32 to vector<16xi32>
      %eq3A_492 = arith.cmpi eq, %get3A_489, %eq3A_491 : vector<16xi32>
      %sub3A_493 = arith.constant 1 : i32
      %sub3A_494 = vector.broadcast %sub3A_493 : i32 to vector<16xi32>
      %sub3A_495 = arith.subi %get3A_489, %sub3A_494 : vector<16xi32>
      %jit3A_496 = arith.constant 99999 : i32
      %broadcast_in_dim3A_497 = vector.broadcast %jit3A_496 : i32 to vector<16xi32>
      %select_n3A_498 = arith.select %eq3A_492, %broadcast_in_dim3A_497, %sub3A_495 : vector<16xi1>, vector<16xi32>
      %swap3A_499 = arith.constant 2 : i32
      %swap3A_500 = arith.index_cast %swap3A_499 : i32 to index
      %swap3A_501 = arith.constant 64 : index
      %swap3A_502 = tpu.vector_load %arg5[%swap3A_500, %swap3A_501] {strides = array<i32>} : memref<8x128xi32, #tpu.memory_space<vmem>>, vector<1x16xi32>,
      %swap3A_503 = vector.shape_cast %swap3A_502 : vector<1x16xi32> to vector<16xi32>
      %swap3A_504 = vector.shape_cast %select_n3A_498 : vector<16xi32> to vector<1x16xi32>
      tpu.vector_store %arg5[%swap3A_500, %swap3A_501], %swap3A_504 {strides = array<i32>} : memref<8x128xi32, #tpu.memory_space<vmem>>, vector<1x16xi32>,
      %get3A_505 = arith.constant 2 : i32
      %get3A_506 = arith.index_cast %get3A_505 : i32 to index
      %get3A_507 = arith.constant 80 : index
      %get3A_508 = tpu.vector_load %arg5[%get3A_506, %get3A_507] {strides = array<i32>} : memref<8x128xi32, #tpu.memory_space<vmem>>, vector<1x16xi32>,
      %get3A_509 = vector.shape_cast %get3A_508 : vector<1x16xi32> to vector<16xi32>
      %eq3A_510 = arith.constant 0 : i32
      %eq3A_511 = vector.broadcast %eq3A_510 : i32 to vector<16xi32>
      %eq3A_512 = arith.cmpi eq, %get3A_509, %eq3A_511 : vector<16xi32>
      %sub3A_513 = arith.constant 1 : i32
      %sub3A_514 = vector.broadcast %sub3A_513 : i32 to vector<16xi32>
      %sub3A_515 = arith.subi %get3A_509, %sub3A_514 : vector<16xi32>
      %jit3A_516 = arith.constant 99999 : i32
      %broadcast_in_dim3A_517 = vector.broadcast %jit3A_516 : i32 to vector<16xi32>
      %select_n3A_518 = arith.select %eq3A_512, %broadcast_in_dim3A_517, %sub3A_515 : vector<16xi1>, vector<16xi32>
      %swap3A_519 = arith.constant 2 : i32
      %swap3A_520 = arith.index_cast %swap3A_519 : i32 to index
      %swap3A_521 = arith.constant 80 : index
      %swap3A_522 = tpu.vector_load %arg5[%swap3A_520, %swap3A_521] {strides = array<i32>} : memref<8x128xi32, #tpu.memory_space<vmem>>, vector<1x16xi32>,
      %swap3A_523 = vector.shape_cast %swap3A_522 : vector<1x16xi32> to vector<16xi32>
      %swap3A_524 = vector.shape_cast %select_n3A_518 : vector<16xi32> to vector<1x16xi32>
      tpu.vector_store %arg5[%swap3A_520, %swap3A_521], %swap3A_524 {strides = array<i32>} : memref<8x128xi32, #tpu.memory_space<vmem>>, vector<1x16xi32>,
      %get3A_525 = arith.constant 2 : i32
      %get3A_526 = arith.index_cast %get3A_525 : i32 to index
      %get3A_527 = arith.constant 96 : index
      %get3A_528 = tpu.vector_load %arg5[%get3A_526, %get3A_527] {strides = array<i32>} : memref<8x128xi32, #tpu.memory_space<vmem>>, vector<1x16xi32>,
      %get3A_529 = vector.shape_cast %get3A_528 : vector<1x16xi32> to vector<16xi32>
      %eq3A_530 = arith.constant 0 : i32
      %eq3A_531 = vector.broadcast %eq3A_530 : i32 to vector<16xi32>
      %eq3A_532 = arith.cmpi eq, %get3A_529, %eq3A_531 : vector<16xi32>
      %sub3A_533 = arith.constant 1 : i32
      %sub3A_534 = vector.broadcast %sub3A_533 : i32 to vector<16xi32>
      %sub3A_535 = arith.subi %get3A_529, %sub3A_534 : vector<16xi32>
      %jit3A_536 = arith.constant 99999 : i32
      %broadcast_in_dim3A_537 = vector.broadcast %jit3A_536 : i32 to vector<16xi32>
      %select_n3A_538 = arith.select %eq3A_532, %broadcast_in_dim3A_537, %sub3A_535 : vector<16xi1>, vector<16xi32>
      %swap3A_539 = arith.constant 2 : i32
      %swap3A_540 = arith.index_cast %swap3A_539 : i32 to index
      %swap3A_541 = arith.constant 96 : index
      %swap3A_542 = tpu.vector_load %arg5[%swap3A_540, %swap3A_541] {strides = array<i32>} : memref<8x128xi32, #tpu.memory_space<vmem>>, vector<1x16xi32>,
      %swap3A_543 = vector.shape_cast %swap3A_542 : vector<1x16xi32> to vector<16xi32>
      %swap3A_544 = vector.shape_cast %select_n3A_538 : vector<16xi32> to vector<1x16xi32>
      tpu.vector_store %arg5[%swap3A_540, %swap3A_541], %swap3A_544 {strides = array<i32>} : memref<8x128xi32, #tpu.memory_space<vmem>>, vector<1x16xi32>,
      %get3A_545 = arith.constant 2 : i32
      %get3A_546 = arith.index_cast %get3A_545 : i32 to index
      %get3A_547 = arith.constant 112 : index
      %get3A_548 = tpu.vector_load %arg5[%get3A_546, %get3A_547] {strides = array<i32>} : memref<8x128xi32, #tpu.memory_space<vmem>>, vector<1x16xi32>,
      %get3A_549 = vector.shape_cast %get3A_548 : vector<1x16xi32> to vector<16xi32>
      %eq3A_550 = arith.constant 0 : i32
      %eq3A_551 = vector.broadcast %eq3A_550 : i32 to vector<16xi32>
      %eq3A_552 = arith.cmpi eq, %get3A_549, %eq3A_551 : vector<16xi32>
      %sub3A_553 = arith.constant 1 : i32
      %sub3A_554 = vector.broadcast %sub3A_553 : i32 to vector<16xi32>
      %sub3A_555 = arith.subi %get3A_549, %sub3A_554 : vector<16xi32>
      %jit3A_556 = arith.constant 99999 : i32
      %broadcast_in_dim3A_557 = vector.broadcast %jit3A_556 : i32 to vector<16xi32>
      %select_n3A_558 = arith.select %eq3A_552, %broadcast_in_dim3A_557, %sub3A_555 : vector<16xi1>, vector<16xi32>
      %swap3A_559 = arith.constant 2 : i32
      %swap3A_560 = arith.index_cast %swap3A_559 : i32 to index
      %swap3A_561 = arith.constant 112 : index
      %swap3A_562 = tpu.vector_load %arg5[%swap3A_560, %swap3A_561] {strides = array<i32>} : memref<8x128xi32, #tpu.memory_space<vmem>>, vector<1x16xi32>,
      %swap3A_563 = vector.shape_cast %swap3A_562 : vector<1x16xi32> to vector<16xi32>
      %swap3A_564 = vector.shape_cast %select_n3A_558 : vector<16xi32> to vector<1x16xi32>
      tpu.vector_store %arg5[%swap3A_560, %swap3A_561], %swap3A_564 {strides = array<i32>} : memref<8x128xi32, #tpu.memory_space<vmem>>, vector<1x16xi32>,
      %get3A_565 = arith.constant 3 : i32
      %get3A_566 = arith.index_cast %get3A_565 : i32 to index
      %get3A_567 = arith.constant 0 : index
      %get3A_568 = tpu.vector_load %arg5[%get3A_566, %get3A_567] {strides = array<i32>} : memref<8x128xi32, #tpu.memory_space<vmem>>, vector<1x16xi32>,
      %get3A_569 = vector.shape_cast %get3A_568 : vector<1x16xi32> to vector<16xi32>
      %eq3A_570 = arith.constant 0 : i32
      %eq3A_571 = vector.broadcast %eq3A_570 : i32 to vector<16xi32>
      %eq3A_572 = arith.cmpi eq, %get3A_569, %eq3A_571 : vector<16xi32>
      %sub3A_573 = arith.constant 1 : i32
      %sub3A_574 = vector.broadcast %sub3A_573 : i32 to vector<16xi32>
      %sub3A_575 = arith.subi %get3A_569, %sub3A_574 : vector<16xi32>
      %jit3A_576 = arith.constant 99999 : i32
      %broadcast_in_dim3A_577 = vector.broadcast %jit3A_576 : i32 to vector<16xi32>
      %select_n3A_578 = arith.select %eq3A_572, %broadcast_in_dim3A_577, %sub3A_575 : vector<16xi1>, vector<16xi32>
      %swap3A_579 = arith.constant 3 : i32
      %swap3A_580 = arith.index_cast %swap3A_579 : i32 to index
      %swap3A_581 = arith.constant 0 : index
      %swap3A_582 = tpu.vector_load %arg5[%swap3A_580, %swap3A_581] {strides = array<i32>} : memref<8x128xi32, #tpu.memory_space<vmem>>, vector<1x16xi32>,
      %swap3A_583 = vector.shape_cast %swap3A_582 : vector<1x16xi32> to vector<16xi32>
      %swap3A_584 = vector.shape_cast %select_n3A_578 : vector<16xi32> to vector<1x16xi32>
      tpu.vector_store %arg5[%swap3A_580, %swap3A_581], %swap3A_584 {strides = array<i32>} : memref<8x128xi32, #tpu.memory_space<vmem>>, vector<1x16xi32>,
      %get3A_585 = arith.constant 3 : i32
      %get3A_586 = arith.index_cast %get3A_585 : i32 to index
      %get3A_587 = arith.constant 16 : index
      %get3A_588 = tpu.vector_load %arg5[%get3A_586, %get3A_587] {strides = array<i32>} : memref<8x128xi32, #tpu.memory_space<vmem>>, vector<1x16xi32>,
      %get3A_589 = vector.shape_cast %get3A_588 : vector<1x16xi32> to vector<16xi32>
      %eq3A_590 = arith.constant 0 : i32
      %eq3A_591 = vector.broadcast %eq3A_590 : i32 to vector<16xi32>
      %eq3A_592 = arith.cmpi eq, %get3A_589, %eq3A_591 : vector<16xi32>
      %sub3A_593 = arith.constant 1 : i32
      %sub3A_594 = vector.broadcast %sub3A_593 : i32 to vector<16xi32>
      %sub3A_595 = arith.subi %get3A_589, %sub3A_594 : vector<16xi32>
      %jit3A_596 = arith.constant 99999 : i32
      %broadcast_in_dim3A_597 = vector.broadcast %jit3A_596 : i32 to vector<16xi32>
      %select_n3A_598 = arith.select %eq3A_592, %broadcast_in_dim3A_597, %sub3A_595 : vector<16xi1>, vector<16xi32>
      %swap3A_599 = arith.constant 3 : i32
      %swap3A_600 = arith.index_cast %swap3A_599 : i32 to index
      %swap3A_601 = arith.constant 16 : index
      %swap3A_602 = tpu.vector_load %arg5[%swap3A_600, %swap3A_601] {strides = array<i32>} : memref<8x128xi32, #tpu.memory_space<vmem>>, vector<1x16xi32>,
      %swap3A_603 = vector.shape_cast %swap3A_602 : vector<1x16xi32> to vector<16xi32>
      %swap3A_604 = vector.shape_cast %select_n3A_598 : vector<16xi32> to vector<1x16xi32>
      tpu.vector_store %arg5[%swap3A_600, %swap3A_601], %swap3A_604 {strides = array<i32>} : memref<8x128xi32, #tpu.memory_space<vmem>>, vector<1x16xi32>,
      %get3A_605 = arith.constant 3 : i32
      %get3A_606 = arith.index_cast %get3A_605 : i32 to index
      %get3A_607 = arith.constant 32 : index
      %get3A_608 = tpu.vector_load %arg5[%get3A_606, %get3A_607] {strides = array<i32>} : memref<8x128xi32, #tpu.memory_space<vmem>>, vector<1x16xi32>,
      %get3A_609 = vector.shape_cast %get3A_608 : vector<1x16xi32> to vector<16xi32>
      %eq3A_610 = arith.constant 0 : i32
      %eq3A_611 = vector.broadcast %eq3A_610 : i32 to vector<16xi32>
      %eq3A_612 = arith.cmpi eq, %get3A_609, %eq3A_611 : vector<16xi32>
      %sub3A_613 = arith.constant 1 : i32
      %sub3A_614 = vector.broadcast %sub3A_613 : i32 to vector<16xi32>
      %sub3A_615 = arith.subi %get3A_609, %sub3A_614 : vector<16xi32>
      %jit3A_616 = arith.constant 99999 : i32
      %broadcast_in_dim3A_617 = vector.broadcast %jit3A_616 : i32 to vector<16xi32>
      %select_n3A_618 = arith.select %eq3A_612, %broadcast_in_dim3A_617, %sub3A_615 : vector<16xi1>, vector<16xi32>
      %swap3A_619 = arith.constant 3 : i32
      %swap3A_620 = arith.index_cast %swap3A_619 : i32 to index
      %swap3A_621 = arith.constant 32 : index
      %swap3A_622 = tpu.vector_load %arg5[%swap3A_620, %swap3A_621] {strides = array<i32>} : memref<8x128xi32, #tpu.memory_space<vmem>>, vector<1x16xi32>,
      %swap3A_623 = vector.shape_cast %swap3A_622 : vector<1x16xi32> to vector<16xi32>
      %swap3A_624 = vector.shape_cast %select_n3A_618 : vector<16xi32> to vector<1x16xi32>
      tpu.vector_store %arg5[%swap3A_620, %swap3A_621], %swap3A_624 {strides = array<i32>} : memref<8x128xi32, #tpu.memory_space<vmem>>, vector<1x16xi32>,
      %get3A_625 = arith.constant 3 : i32
      %get3A_626 = arith.index_cast %get3A_625 : i32 to index
      %get3A_627 = arith.constant 48 : index
      %get3A_628 = tpu.vector_load %arg5[%get3A_626, %get3A_627] {strides = array<i32>} : memref<8x128xi32, #tpu.memory_space<vmem>>, vector<1x16xi32>,
      %get3A_629 = vector.shape_cast %get3A_628 : vector<1x16xi32> to vector<16xi32>
      %eq3A_630 = arith.constant 0 : i32
      %eq3A_631 = vector.broadcast %eq3A_630 : i32 to vector<16xi32>
      %eq3A_632 = arith.cmpi eq, %get3A_629, %eq3A_631 : vector<16xi32>
      %sub3A_633 = arith.constant 1 : i32
      %sub3A_634 = vector.broadcast %sub3A_633 : i32 to vector<16xi32>
      %sub3A_635 = arith.subi %get3A_629, %sub3A_634 : vector<16xi32>
      %jit3A_636 = arith.constant 99999 : i32
      %broadcast_in_dim3A_637 = vector.broadcast %jit3A_636 : i32 to vector<16xi32>
      %select_n3A_638 = arith.select %eq3A_632, %broadcast_in_dim3A_637, %sub3A_635 : vector<16xi1>, vector<16xi32>
      %swap3A_639 = arith.constant 3 : i32
      %swap3A_640 = arith.index_cast %swap3A_639 : i32 to index
      %swap3A_641 = arith.constant 48 : index
      %swap3A_642 = tpu.vector_load %arg5[%swap3A_640, %swap3A_641] {strides = array<i32>} : memref<8x128xi32, #tpu.memory_space<vmem>>, vector<1x16xi32>,
      %swap3A_643 = vector.shape_cast %swap3A_642 : vector<1x16xi32> to vector<16xi32>
      %swap3A_644 = vector.shape_cast %select_n3A_638 : vector<16xi32> to vector<1x16xi32>
      tpu.vector_store %arg5[%swap3A_640, %swap3A_641], %swap3A_644 {strides = array<i32>} : memref<8x128xi32, #tpu.memory_space<vmem>>, vector<1x16xi32>,
      %get3A_645 = arith.constant 3 : i32
      %get3A_646 = arith.index_cast %get3A_645 : i32 to index
      %get3A_647 = arith.constant 64 : index
      %get3A_648 = tpu.vector_load %arg5[%get3A_646, %get3A_647] {strides = array<i32>} : memref<8x128xi32, #tpu.memory_space<vmem>>, vector<1x16xi32>,
      %get3A_649 = vector.shape_cast %get3A_648 : vector<1x16xi32> to vector<16xi32>
      %eq3A_650 = arith.constant 0 : i32
      %eq3A_651 = vector.broadcast %eq3A_650 : i32 to vector<16xi32>
      %eq3A_652 = arith.cmpi eq, %get3A_649, %eq3A_651 : vector<16xi32>
      %sub3A_653 = arith.constant 1 : i32
      %sub3A_654 = vector.broadcast %sub3A_653 : i32 to vector<16xi32>
      %sub3A_655 = arith.subi %get3A_649, %sub3A_654 : vector<16xi32>
      %jit3A_656 = arith.constant 99999 : i32
      %broadcast_in_dim3A_657 = vector.broadcast %jit3A_656 : i32 to vector<16xi32>
      %select_n3A_658 = arith.select %eq3A_652, %broadcast_in_dim3A_657, %sub3A_655 : vector<16xi1>, vector<16xi32>
      %swap3A_659 = arith.constant 3 : i32
      %swap3A_660 = arith.index_cast %swap3A_659 : i32 to index
      %swap3A_661 = arith.constant 64 : index
      %swap3A_662 = tpu.vector_load %arg5[%swap3A_660, %swap3A_661] {strides = array<i32>} : memref<8x128xi32, #tpu.memory_space<vmem>>, vector<1x16xi32>,
      %swap3A_663 = vector.shape_cast %swap3A_662 : vector<1x16xi32> to vector<16xi32>
      %swap3A_664 = vector.shape_cast %select_n3A_658 : vector<16xi32> to vector<1x16xi32>
      tpu.vector_store %arg5[%swap3A_660, %swap3A_661], %swap3A_664 {strides = array<i32>} : memref<8x128xi32, #tpu.memory_space<vmem>>, vector<1x16xi32>,
      %get3A_665 = arith.constant 3 : i32
      %get3A_666 = arith.index_cast %get3A_665 : i32 to index
      %get3A_667 = arith.constant 80 : index
      %get3A_668 = tpu.vector_load %arg5[%get3A_666, %get3A_667] {strides = array<i32>} : memref<8x128xi32, #tpu.memory_space<vmem>>, vector<1x16xi32>,
      %get3A_669 = vector.shape_cast %get3A_668 : vector<1x16xi32> to vector<16xi32>
      %eq3A_670 = arith.constant 0 : i32
      %eq3A_671 = vector.broadcast %eq3A_670 : i32 to vector<16xi32>
      %eq3A_672 = arith.cmpi eq, %get3A_669, %eq3A_671 : vector<16xi32>
      %sub3A_673 = arith.constant 1 : i32
      %sub3A_674 = vector.broadcast %sub3A_673 : i32 to vector<16xi32>
      %sub3A_675 = arith.subi %get3A_669, %sub3A_674 : vector<16xi32>
      %jit3A_676 = arith.constant 99999 : i32
      %broadcast_in_dim3A_677 = vector.broadcast %jit3A_676 : i32 to vector<16xi32>
      %select_n3A_678 = arith.select %eq3A_672, %broadcast_in_dim3A_677, %sub3A_675 : vector<16xi1>, vector<16xi32>
      %swap3A_679 = arith.constant 3 : i32
      %swap3A_680 = arith.index_cast %swap3A_679 : i32 to index
      %swap3A_681 = arith.constant 80 : index
      %swap3A_682 = tpu.vector_load %arg5[%swap3A_680, %swap3A_681] {strides = array<i32>} : memref<8x128xi32, #tpu.memory_space<vmem>>, vector<1x16xi32>,
      %swap3A_683 = vector.shape_cast %swap3A_682 : vector<1x16xi32> to vector<16xi32>
      %swap3A_684 = vector.shape_cast %select_n3A_678 : vector<16xi32> to vector<1x16xi32>
      tpu.vector_store %arg5[%swap3A_680, %swap3A_681], %swap3A_684 {strides = array<i32>} : memref<8x128xi32, #tpu.memory_space<vmem>>, vector<1x16xi32>,
      %get3A_685 = arith.constant 3 : i32
      %get3A_686 = arith.index_cast %get3A_685 : i32 to index
      %get3A_687 = arith.constant 96 : index
      %get3A_688 = tpu.vector_load %arg5[%get3A_686, %get3A_687] {strides = array<i32>} : memref<8x128xi32, #tpu.memory_space<vmem>>, vector<1x16xi32>,
      %get3A_689 = vector.shape_cast %get3A_688 : vector<1x16xi32> to vector<16xi32>
      %eq3A_690 = arith.constant 0 : i32
      %eq3A_691 = vector.broadcast %eq3A_690 : i32 to vector<16xi32>
      %eq3A_692 = arith.cmpi eq, %get3A_689, %eq3A_691 : vector<16xi32>
      %sub3A_693 = arith.constant 1 : i32
      %sub3A_694 = vector.broadcast %sub3A_693 : i32 to vector<16xi32>
      %sub3A_695 = arith.subi %get3A_689, %sub3A_694 : vector<16xi32>
      %jit3A_696 = arith.constant 99999 : i32
      %broadcast_in_dim3A_697 = vector.broadcast %jit3A_696 : i32 to vector<16xi32>
      %select_n3A_698 = arith.select %eq3A_692, %broadcast_in_dim3A_697, %sub3A_695 : vector<16xi1>, vector<16xi32>
      %swap3A_699 = arith.constant 3 : i32
      %swap3A_700 = arith.index_cast %swap3A_699 : i32 to index
      %swap3A_701 = arith.constant 96 : index
      %swap3A_702 = tpu.vector_load %arg5[%swap3A_700, %swap3A_701] {strides = array<i32>} : memref<8x128xi32, #tpu.memory_space<vmem>>, vector<1x16xi32>,
      %swap3A_703 = vector.shape_cast %swap3A_702 : vector<1x16xi32> to vector<16xi32>
      %swap3A_704 = vector.shape_cast %select_n3A_698 : vector<16xi32> to vector<1x16xi32>
      tpu.vector_store %arg5[%swap3A_700, %swap3A_701], %swap3A_704 {strides = array<i32>} : memref<8x128xi32, #tpu.memory_space<vmem>>, vector<1x16xi32>,
      %get3A_705 = arith.constant 3 : i32
      %get3A_706 = arith.index_cast %get3A_705 : i32 to index
      %get3A_707 = arith.constant 112 : index
      %get3A_708 = tpu.vector_load %arg5[%get3A_706, %get3A_707] {strides = array<i32>} : memref<8x128xi32, #tpu.memory_space<vmem>>, vector<1x16xi32>,
      %get3A_709 = vector.shape_cast %get3A_708 : vector<1x16xi32> to vector<16xi32>
      %eq3A_710 = arith.constant 0 : i32
      %eq3A_711 = vector.broadcast %eq3A_710 : i32 to vector<16xi32>
      %eq3A_712 = arith.cmpi eq, %get3A_709, %eq3A_711 : vector<16xi32>
      %sub3A_713 = arith.constant 1 : i32
      %sub3A_714 = vector.broadcast %sub3A_713 : i32 to vector<16xi32>
      %sub3A_715 = arith.subi %get3A_709, %sub3A_714 : vector<16xi32>
      %jit3A_716 = arith.constant 99999 : i32
      %broadcast_in_dim3A_717 = vector.broadcast %jit3A_716 : i32 to vector<16xi32>
      %select_n3A_718 = arith.select %eq3A_712, %broadcast_in_dim3A_717, %sub3A_715 : vector<16xi1>, vector<16xi32>
      %swap3A_719 = arith.constant 3 : i32
      %swap3A_720 = arith.index_cast %swap3A_719 : i32 to index
      %swap3A_721 = arith.constant 112 : index
      %swap3A_722 = tpu.vector_load %arg5[%swap3A_720, %swap3A_721] {strides = array<i32>} : memref<8x128xi32, #tpu.memory_space<vmem>>, vector<1x16xi32>,
      %swap3A_723 = vector.shape_cast %swap3A_722 : vector<1x16xi32> to vector<16xi32>
      %swap3A_724 = vector.shape_cast %select_n3A_718 : vector<16xi32> to vector<1x16xi32>
      tpu.vector_store %arg5[%swap3A_720, %swap3A_721], %swap3A_724 {strides = array<i32>} : memref<8x128xi32, #tpu.memory_space<vmem>>, vector<1x16xi32>,
      %get3A_725 = arith.constant 4 : i32
      %get3A_726 = arith.index_cast %get3A_725 : i32 to index
      %get3A_727 = arith.constant 0 : index
      %get3A_728 = tpu.vector_load %arg5[%get3A_726, %get3A_727] {strides = array<i32>} : memref<8x128xi32, #tpu.memory_space<vmem>>, vector<1x16xi32>,
      %get3A_729 = vector.shape_cast %get3A_728 : vector<1x16xi32> to vector<16xi32>
      %eq3A_730 = arith.constant 0 : i32
      %eq3A_731 = vector.broadcast %eq3A_730 : i32 to vector<16xi32>
      %eq3A_732 = arith.cmpi eq, %get3A_729, %eq3A_731 : vector<16xi32>
      %sub3A_733 = arith.constant 1 : i32
      %sub3A_734 = vector.broadcast %sub3A_733 : i32 to vector<16xi32>
      %sub3A_735 = arith.subi %get3A_729, %sub3A_734 : vector<16xi32>
      %jit3A_736 = arith.constant 99999 : i32
      %broadcast_in_dim3A_737 = vector.broadcast %jit3A_736 : i32 to vector<16xi32>
      %select_n3A_738 = arith.select %eq3A_732, %broadcast_in_dim3A_737, %sub3A_735 : vector<16xi1>, vector<16xi32>
      %swap3A_739 = arith.constant 4 : i32
      %swap3A_740 = arith.index_cast %swap3A_739 : i32 to index
      %swap3A_741 = arith.constant 0 : index
      %swap3A_742 = tpu.vector_load %arg5[%swap3A_740, %swap3A_741] {strides = array<i32>} : memref<8x128xi32, #tpu.memory_space<vmem>>, vector<1x16xi32>,
      %swap3A_743 = vector.shape_cast %swap3A_742 : vector<1x16xi32> to vector<16xi32>
      %swap3A_744 = vector.shape_cast %select_n3A_738 : vector<16xi32> to vector<1x16xi32>
      tpu.vector_store %arg5[%swap3A_740, %swap3A_741], %swap3A_744 {strides = array<i32>} : memref<8x128xi32, #tpu.memory_space<vmem>>, vector<1x16xi32>,
      %get3A_745 = arith.constant 4 : i32
      %get3A_746 = arith.index_cast %get3A_745 : i32 to index
      %get3A_747 = arith.constant 16 : index
      %get3A_748 = tpu.vector_load %arg5[%get3A_746, %get3A_747] {strides = array<i32>} : memref<8x128xi32, #tpu.memory_space<vmem>>, vector<1x16xi32>,
      %get3A_749 = vector.shape_cast %get3A_748 : vector<1x16xi32> to vector<16xi32>
      %eq3A_750 = arith.constant 0 : i32
      %eq3A_751 = vector.broadcast %eq3A_750 : i32 to vector<16xi32>
      %eq3A_752 = arith.cmpi eq, %get3A_749, %eq3A_751 : vector<16xi32>
      %sub3A_753 = arith.constant 1 : i32
      %sub3A_754 = vector.broadcast %sub3A_753 : i32 to vector<16xi32>
      %sub3A_755 = arith.subi %get3A_749, %sub3A_754 : vector<16xi32>
      %jit3A_756 = arith.constant 99999 : i32
      %broadcast_in_dim3A_757 = vector.broadcast %jit3A_756 : i32 to vector<16xi32>
      %select_n3A_758 = arith.select %eq3A_752, %broadcast_in_dim3A_757, %sub3A_755 : vector<16xi1>, vector<16xi32>
      %swap3A_759 = arith.constant 4 : i32
      %swap3A_760 = arith.index_cast %swap3A_759 : i32 to index
      %swap3A_761 = arith.constant 16 : index
      %swap3A_762 = tpu.vector_load %arg5[%swap3A_760, %swap3A_761] {strides = array<i32>} : memref<8x128xi32, #tpu.memory_space<vmem>>, vector<1x16xi32>,
      %swap3A_763 = vector.shape_cast %swap3A_762 : vector<1x16xi32> to vector<16xi32>
      %swap3A_764 = vector.shape_cast %select_n3A_758 : vector<16xi32> to vector<1x16xi32>
      tpu.vector_store %arg5[%swap3A_760, %swap3A_761], %swap3A_764 {strides = array<i32>} : memref<8x128xi32, #tpu.memory_space<vmem>>, vector<1x16xi32>,
      %get3A_765 = arith.constant 4 : i32
      %get3A_766 = arith.index_cast %get3A_765 : i32 to index
      %get3A_767 = arith.constant 32 : index
      %get3A_768 = tpu.vector_load %arg5[%get3A_766, %get3A_767] {strides = array<i32>} : memref<8x128xi32, #tpu.memory_space<vmem>>, vector<1x16xi32>,
      %get3A_769 = vector.shape_cast %get3A_768 : vector<1x16xi32> to vector<16xi32>
      %eq3A_770 = arith.constant 0 : i32
      %eq3A_771 = vector.broadcast %eq3A_770 : i32 to vector<16xi32>
      %eq3A_772 = arith.cmpi eq, %get3A_769, %eq3A_771 : vector<16xi32>
      %sub3A_773 = arith.constant 1 : i32
      %sub3A_774 = vector.broadcast %sub3A_773 : i32 to vector<16xi32>
      %sub3A_775 = arith.subi %get3A_769, %sub3A_774 : vector<16xi32>
      %jit3A_776 = arith.constant 99999 : i32
      %broadcast_in_dim3A_777 = vector.broadcast %jit3A_776 : i32 to vector<16xi32>
      %select_n3A_778 = arith.select %eq3A_772, %broadcast_in_dim3A_777, %sub3A_775 : vector<16xi1>, vector<16xi32>
      %swap3A_779 = arith.constant 4 : i32
      %swap3A_780 = arith.index_cast %swap3A_779 : i32 to index
      %swap3A_781 = arith.constant 32 : index
      %swap3A_782 = tpu.vector_load %arg5[%swap3A_780, %swap3A_781] {strides = array<i32>} : memref<8x128xi32, #tpu.memory_space<vmem>>, vector<1x16xi32>,
      %swap3A_783 = vector.shape_cast %swap3A_782 : vector<1x16xi32> to vector<16xi32>
      %swap3A_784 = vector.shape_cast %select_n3A_778 : vector<16xi32> to vector<1x16xi32>
      tpu.vector_store %arg5[%swap3A_780, %swap3A_781], %swap3A_784 {strides = array<i32>} : memref<8x128xi32, #tpu.memory_space<vmem>>, vector<1x16xi32>,
      %get3A_785 = arith.constant 4 : i32
      %get3A_786 = arith.index_cast %get3A_785 : i32 to index
      %get3A_787 = arith.constant 48 : index
      %get3A_788 = tpu.vector_load %arg5[%get3A_786, %get3A_787] {strides = array<i32>} : memref<8x128xi32, #tpu.memory_space<vmem>>, vector<1x16xi32>,
      %get3A_789 = vector.shape_cast %get3A_788 : vector<1x16xi32> to vector<16xi32>
      %eq3A_790 = arith.constant 0 : i32
      %eq3A_791 = vector.broadcast %eq3A_790 : i32 to vector<16xi32>
      %eq3A_792 = arith.cmpi eq, %get3A_789, %eq3A_791 : vector<16xi32>
      %sub3A_793 = arith.constant 1 : i32
      %sub3A_794 = vector.broadcast %sub3A_793 : i32 to vector<16xi32>
      %sub3A_795 = arith.subi %get3A_789, %sub3A_794 : vector<16xi32>
      %jit3A_796 = arith.constant 99999 : i32
      %broadcast_in_dim3A_797 = vector.broadcast %jit3A_796 : i32 to vector<16xi32>
      %select_n3A_798 = arith.select %eq3A_792, %broadcast_in_dim3A_797, %sub3A_795 : vector<16xi1>, vector<16xi32>
      %swap3A_799 = arith.constant 4 : i32
      %swap3A_800 = arith.index_cast %swap3A_799 : i32 to index
      %swap3A_801 = arith.constant 48 : index
      %swap3A_802 = tpu.vector_load %arg5[%swap3A_800, %swap3A_801] {strides = array<i32>} : memref<8x128xi32, #tpu.memory_space<vmem>>, vector<1x16xi32>,
      %swap3A_803 = vector.shape_cast %swap3A_802 : vector<1x16xi32> to vector<16xi32>
      %swap3A_804 = vector.shape_cast %select_n3A_798 : vector<16xi32> to vector<1x16xi32>
      tpu.vector_store %arg5[%swap3A_800, %swap3A_801], %swap3A_804 {strides = array<i32>} : memref<8x128xi32, #tpu.memory_space<vmem>>, vector<1x16xi32>,
      %get3A_805 = arith.constant 4 : i32
      %get3A_806 = arith.index_cast %get3A_805 : i32 to index
      %get3A_807 = arith.constant 64 : index
      %get3A_808 = tpu.vector_load %arg5[%get3A_806, %get3A_807] {strides = array<i32>} : memref<8x128xi32, #tpu.memory_space<vmem>>, vector<1x16xi32>,
      %get3A_809 = vector.shape_cast %get3A_808 : vector<1x16xi32> to vector<16xi32>
      %eq3A_810 = arith.constant 0 : i32
      %eq3A_811 = vector.broadcast %eq3A_810 : i32 to vector<16xi32>
      %eq3A_812 = arith.cmpi eq, %get3A_809, %eq3A_811 : vector<16xi32>
      %sub3A_813 = arith.constant 1 : i32
      %sub3A_814 = vector.broadcast %sub3A_813 : i32 to vector<16xi32>
      %sub3A_815 = arith.subi %get3A_809, %sub3A_814 : vector<16xi32>
      %jit3A_816 = arith.constant 99999 : i32
      %broadcast_in_dim3A_817 = vector.broadcast %jit3A_816 : i32 to vector<16xi32>
      %select_n3A_818 = arith.select %eq3A_812, %broadcast_in_dim3A_817, %sub3A_815 : vector<16xi1>, vector<16xi32>
      %swap3A_819 = arith.constant 4 : i32
      %swap3A_820 = arith.index_cast %swap3A_819 : i32 to index
      %swap3A_821 = arith.constant 64 : index
      %swap3A_822 = tpu.vector_load %arg5[%swap3A_820, %swap3A_821] {strides = array<i32>} : memref<8x128xi32, #tpu.memory_space<vmem>>, vector<1x16xi32>,
      %swap3A_823 = vector.shape_cast %swap3A_822 : vector<1x16xi32> to vector<16xi32>
      %swap3A_824 = vector.shape_cast %select_n3A_818 : vector<16xi32> to vector<1x16xi32>
      tpu.vector_store %arg5[%swap3A_820, %swap3A_821], %swap3A_824 {strides = array<i32>} : memref<8x128xi32, #tpu.memory_space<vmem>>, vector<1x16xi32>,
      %get3A_825 = arith.constant 4 : i32
      %get3A_826 = arith.index_cast %get3A_825 : i32 to index
      %get3A_827 = arith.constant 80 : index
      %get3A_828 = tpu.vector_load %arg5[%get3A_826, %get3A_827] {strides = array<i32>} : memref<8x128xi32, #tpu.memory_space<vmem>>, vector<1x16xi32>,
      %get3A_829 = vector.shape_cast %get3A_828 : vector<1x16xi32> to vector<16xi32>
      %eq3A_830 = arith.constant 0 : i32
      %eq3A_831 = vector.broadcast %eq3A_830 : i32 to vector<16xi32>
      %eq3A_832 = arith.cmpi eq, %get3A_829, %eq3A_831 : vector<16xi32>
      %sub3A_833 = arith.constant 1 : i32
      %sub3A_834 = vector.broadcast %sub3A_833 : i32 to vector<16xi32>
      %sub3A_835 = arith.subi %get3A_829, %sub3A_834 : vector<16xi32>
      %jit3A_836 = arith.constant 99999 : i32
      %broadcast_in_dim3A_837 = vector.broadcast %jit3A_836 : i32 to vector<16xi32>
      %select_n3A_838 = arith.select %eq3A_832, %broadcast_in_dim3A_837, %sub3A_835 : vector<16xi1>, vector<16xi32>
      %swap3A_839 = arith.constant 4 : i32
      %swap3A_840 = arith.index_cast %swap3A_839 : i32 to index
      %swap3A_841 = arith.constant 80 : index
      %swap3A_842 = tpu.vector_load %arg5[%swap3A_840, %swap3A_841] {strides = array<i32>} : memref<8x128xi32, #tpu.memory_space<vmem>>, vector<1x16xi32>,
      %swap3A_843 = vector.shape_cast %swap3A_842 : vector<1x16xi32> to vector<16xi32>
      %swap3A_844 = vector.shape_cast %select_n3A_838 : vector<16xi32> to vector<1x16xi32>
      tpu.vector_store %arg5[%swap3A_840, %swap3A_841], %swap3A_844 {strides = array<i32>} : memref<8x128xi32, #tpu.memory_space<vmem>>, vector<1x16xi32>,
      %get3A_845 = arith.constant 4 : i32
      %get3A_846 = arith.index_cast %get3A_845 : i32 to index
      %get3A_847 = arith.constant 96 : index
      %get3A_848 = tpu.vector_load %arg5[%get3A_846, %get3A_847] {strides = array<i32>} : memref<8x128xi32, #tpu.memory_space<vmem>>, vector<1x16xi32>,
      %get3A_849 = vector.shape_cast %get3A_848 : vector<1x16xi32> to vector<16xi32>
      %eq3A_850 = arith.constant 0 : i32
      %eq3A_851 = vector.broadcast %eq3A_850 : i32 to vector<16xi32>
      %eq3A_852 = arith.cmpi eq, %get3A_849, %eq3A_851 : vector<16xi32>
      %sub3A_853 = arith.constant 1 : i32
      %sub3A_854 = vector.broadcast %sub3A_853 : i32 to vector<16xi32>
      %sub3A_855 = arith.subi %get3A_849, %sub3A_854 : vector<16xi32>
      %jit3A_856 = arith.constant 99999 : i32
      %broadcast_in_dim3A_857 = vector.broadcast %jit3A_856 : i32 to vector<16xi32>
      %select_n3A_858 = arith.select %eq3A_852, %broadcast_in_dim3A_857, %sub3A_855 : vector<16xi1>, vector<16xi32>
      %swap3A_859 = arith.constant 4 : i32
      %swap3A_860 = arith.index_cast %swap3A_859 : i32 to index
      %swap3A_861 = arith.constant 96 : index
      %swap3A_862 = tpu.vector_load %arg5[%swap3A_860, %swap3A_861] {strides = array<i32>} : memref<8x128xi32, #tpu.memory_space<vmem>>, vector<1x16xi32>,
      %swap3A_863 = vector.shape_cast %swap3A_862 : vector<1x16xi32> to vector<16xi32>
      %swap3A_864 = vector.shape_cast %select_n3A_858 : vector<16xi32> to vector<1x16xi32>
      tpu.vector_store %arg5[%swap3A_860, %swap3A_861], %swap3A_864 {strides = array<i32>} : memref<8x128xi32, #tpu.memory_space<vmem>>, vector<1x16xi32>,
      %get3A_865 = arith.constant 4 : i32
      %get3A_866 = arith.index_cast %get3A_865 : i32 to index
      %get3A_867 = arith.constant 112 : index
      %get3A_868 = tpu.vector_load %arg5[%get3A_866, %get3A_867] {strides = array<i32>} : memref<8x128xi32, #tpu.memory_space<vmem>>, vector<1x16xi32>,
      %get3A_869 = vector.shape_cast %get3A_868 : vector<1x16xi32> to vector<16xi32>
      %eq3A_870 = arith.constant 0 : i32
      %eq3A_871 = vector.broadcast %eq3A_870 : i32 to vector<16xi32>
      %eq3A_872 = arith.cmpi eq, %get3A_869, %eq3A_871 : vector<16xi32>
      %sub3A_873 = arith.constant 1 : i32
      %sub3A_874 = vector.broadcast %sub3A_873 : i32 to vector<16xi32>
      %sub3A_875 = arith.subi %get3A_869, %sub3A_874 : vector<16xi32>
      %jit3A_876 = arith.constant 99999 : i32
      %broadcast_in_dim3A_877 = vector.broadcast %jit3A_876 : i32 to vector<16xi32>
      %select_n3A_878 = arith.select %eq3A_872, %broadcast_in_dim3A_877, %sub3A_875 : vector<16xi1>, vector<16xi32>
      %swap3A_879 = arith.constant 4 : i32
      %swap3A_880 = arith.index_cast %swap3A_879 : i32 to index
      %swap3A_881 = arith.constant 112 : index
      %swap3A_882 = tpu.vector_load %arg5[%swap3A_880, %swap3A_881] {strides = array<i32>} : memref<8x128xi32, #tpu.memory_space<vmem>>, vector<1x16xi32>,
      %swap3A_883 = vector.shape_cast %swap3A_882 : vector<1x16xi32> to vector<16xi32>
      %swap3A_884 = vector.shape_cast %select_n3A_878 : vector<16xi32> to vector<1x16xi32>
      tpu.vector_store %arg5[%swap3A_880, %swap3A_881], %swap3A_884 {strides = array<i32>} : memref<8x128xi32, #tpu.memory_space<vmem>>, vector<1x16xi32>,
      %get3A_885 = arith.constant 5 : i32
      %get3A_886 = arith.index_cast %get3A_885 : i32 to index
      %get3A_887 = arith.constant 0 : index
      %get3A_888 = tpu.vector_load %arg5[%get3A_886, %get3A_887] {strides = array<i32>} : memref<8x128xi32, #tpu.memory_space<vmem>>, vector<1x16xi32>,
      %get3A_889 = vector.shape_cast %get3A_888 : vector<1x16xi32> to vector<16xi32>
      %eq3A_890 = arith.constant 0 : i32
      %eq3A_891 = vector.broadcast %eq3A_890 : i32 to vector<16xi32>
      %eq3A_892 = arith.cmpi eq, %get3A_889, %eq3A_891 : vector<16xi32>
      %sub3A_893 = arith.constant 1 : i32
      %sub3A_894 = vector.broadcast %sub3A_893 : i32 to vector<16xi32>
      %sub3A_895 = arith.subi %get3A_889, %sub3A_894 : vector<16xi32>
      %jit3A_896 = arith.constant 99999 : i32
      %broadcast_in_dim3A_897 = vector.broadcast %jit3A_896 : i32 to vector<16xi32>
      %select_n3A_898 = arith.select %eq3A_892, %broadcast_in_dim3A_897, %sub3A_895 : vector<16xi1>, vector<16xi32>
      %swap3A_899 = arith.constant 5 : i32
      %swap3A_900 = arith.index_cast %swap3A_899 : i32 to index
      %swap3A_901 = arith.constant 0 : index
      %swap3A_902 = tpu.vector_load %arg5[%swap3A_900, %swap3A_901] {strides = array<i32>} : memref<8x128xi32, #tpu.memory_space<vmem>>, vector<1x16xi32>,
      %swap3A_903 = vector.shape_cast %swap3A_902 : vector<1x16xi32> to vector<16xi32>
      %swap3A_904 = vector.shape_cast %select_n3A_898 : vector<16xi32> to vector<1x16xi32>
      tpu.vector_store %arg5[%swap3A_900, %swap3A_901], %swap3A_904 {strides = array<i32>} : memref<8x128xi32, #tpu.memory_space<vmem>>, vector<1x16xi32>,
      %get3A_905 = arith.constant 5 : i32
      %get3A_906 = arith.index_cast %get3A_905 : i32 to index
      %get3A_907 = arith.constant 16 : index
      %get3A_908 = tpu.vector_load %arg5[%get3A_906, %get3A_907] {strides = array<i32>} : memref<8x128xi32, #tpu.memory_space<vmem>>, vector<1x16xi32>,
      %get3A_909 = vector.shape_cast %get3A_908 : vector<1x16xi32> to vector<16xi32>
      %eq3A_910 = arith.constant 0 : i32
      %eq3A_911 = vector.broadcast %eq3A_910 : i32 to vector<16xi32>
      %eq3A_912 = arith.cmpi eq, %get3A_909, %eq3A_911 : vector<16xi32>
      %sub3A_913 = arith.constant 1 : i32
      %sub3A_914 = vector.broadcast %sub3A_913 : i32 to vector<16xi32>
      %sub3A_915 = arith.subi %get3A_909, %sub3A_914 : vector<16xi32>
      %jit3A_916 = arith.constant 99999 : i32
      %broadcast_in_dim3A_917 = vector.broadcast %jit3A_916 : i32 to vector<16xi32>
      %select_n3A_918 = arith.select %eq3A_912, %broadcast_in_dim3A_917, %sub3A_915 : vector<16xi1>, vector<16xi32>
      %swap3A_919 = arith.constant 5 : i32
      %swap3A_920 = arith.index_cast %swap3A_919 : i32 to index
      %swap3A_921 = arith.constant 16 : index
      %swap3A_922 = tpu.vector_load %arg5[%swap3A_920, %swap3A_921] {strides = array<i32>} : memref<8x128xi32, #tpu.memory_space<vmem>>, vector<1x16xi32>,
      %swap3A_923 = vector.shape_cast %swap3A_922 : vector<1x16xi32> to vector<16xi32>
      %swap3A_924 = vector.shape_cast %select_n3A_918 : vector<16xi32> to vector<1x16xi32>
      tpu.vector_store %arg5[%swap3A_920, %swap3A_921], %swap3A_924 {strides = array<i32>} : memref<8x128xi32, #tpu.memory_space<vmem>>, vector<1x16xi32>,
      %get3A_925 = arith.constant 5 : i32
      %get3A_926 = arith.index_cast %get3A_925 : i32 to index
      %get3A_927 = arith.constant 32 : index
      %get3A_928 = tpu.vector_load %arg5[%get3A_926, %get3A_927] {strides = array<i32>} : memref<8x128xi32, #tpu.memory_space<vmem>>, vector<1x16xi32>,
      %get3A_929 = vector.shape_cast %get3A_928 : vector<1x16xi32> to vector<16xi32>
      %eq3A_930 = arith.constant 0 : i32
      %eq3A_931 = vector.broadcast %eq3A_930 : i32 to vector<16xi32>
      %eq3A_932 = arith.cmpi eq, %get3A_929, %eq3A_931 : vector<16xi32>
      %sub3A_933 = arith.constant 1 : i32
      %sub3A_934 = vector.broadcast %sub3A_933 : i32 to vector<16xi32>
      %sub3A_935 = arith.subi %get3A_929, %sub3A_934 : vector<16xi32>
      %jit3A_936 = arith.constant 99999 : i32
      %broadcast_in_dim3A_937 = vector.broadcast %jit3A_936 : i32 to vector<16xi32>
      %select_n3A_938 = arith.select %eq3A_932, %broadcast_in_dim3A_937, %sub3A_935 : vector<16xi1>, vector<16xi32>
      %swap3A_939 = arith.constant 5 : i32
      %swap3A_940 = arith.index_cast %swap3A_939 : i32 to index
      %swap3A_941 = arith.constant 32 : index
      %swap3A_942 = tpu.vector_load %arg5[%swap3A_940, %swap3A_941] {strides = array<i32>} : memref<8x128xi32, #tpu.memory_space<vmem>>, vector<1x16xi32>,
      %swap3A_943 = vector.shape_cast %swap3A_942 : vector<1x16xi32> to vector<16xi32>
      %swap3A_944 = vector.shape_cast %select_n3A_938 : vector<16xi32> to vector<1x16xi32>
      tpu.vector_store %arg5[%swap3A_940, %swap3A_941], %swap3A_944 {strides = array<i32>} : memref<8x128xi32, #tpu.memory_space<vmem>>, vector<1x16xi32>,
      %get3A_945 = arith.constant 5 : i32
      %get3A_946 = arith.index_cast %get3A_945 : i32 to index
      %get3A_947 = arith.constant 48 : index
      %get3A_948 = tpu.vector_load %arg5[%get3A_946, %get3A_947] {strides = array<i32>} : memref<8x128xi32, #tpu.memory_space<vmem>>, vector<1x16xi32>,
      %get3A_949 = vector.shape_cast %get3A_948 : vector<1x16xi32> to vector<16xi32>
      %eq3A_950 = arith.constant 0 : i32
      %eq3A_951 = vector.broadcast %eq3A_950 : i32 to vector<16xi32>
      %eq3A_952 = arith.cmpi eq, %get3A_949, %eq3A_951 : vector<16xi32>
      %sub3A_953 = arith.constant 1 : i32
      %sub3A_954 = vector.broadcast %sub3A_953 : i32 to vector<16xi32>
      %sub3A_955 = arith.subi %get3A_949, %sub3A_954 : vector<16xi32>
      %jit3A_956 = arith.constant 99999 : i32
      %broadcast_in_dim3A_957 = vector.broadcast %jit3A_956 : i32 to vector<16xi32>
      %select_n3A_958 = arith.select %eq3A_952, %broadcast_in_dim3A_957, %sub3A_955 : vector<16xi1>, vector<16xi32>
      %swap3A_959 = arith.constant 5 : i32
      %swap3A_960 = arith.index_cast %swap3A_959 : i32 to index
      %swap3A_961 = arith.constant 48 : index
      %swap3A_962 = tpu.vector_load %arg5[%swap3A_960, %swap3A_961] {strides = array<i32>} : memref<8x128xi32, #tpu.memory_space<vmem>>, vector<1x16xi32>,
      %swap3A_963 = vector.shape_cast %swap3A_962 : vector<1x16xi32> to vector<16xi32>
      %swap3A_964 = vector.shape_cast %select_n3A_958 : vector<16xi32> to vector<1x16xi32>
      tpu.vector_store %arg5[%swap3A_960, %swap3A_961], %swap3A_964 {strides = array<i32>} : memref<8x128xi32, #tpu.memory_space<vmem>>, vector<1x16xi32>,
      %get3A_965 = arith.constant 5 : i32
      %get3A_966 = arith.index_cast %get3A_965 : i32 to index
      %get3A_967 = arith.constant 64 : index
      %get3A_968 = tpu.vector_load %arg5[%get3A_966, %get3A_967] {strides = array<i32>} : memref<8x128xi32, #tpu.memory_space<vmem>>, vector<1x16xi32>,
      %get3A_969 = vector.shape_cast %get3A_968 : vector<1x16xi32> to vector<16xi32>
      %eq3A_970 = arith.constant 0 : i32
      %eq3A_971 = vector.broadcast %eq3A_970 : i32 to vector<16xi32>
      %eq3A_972 = arith.cmpi eq, %get3A_969, %eq3A_971 : vector<16xi32>
      %sub3A_973 = arith.constant 1 : i32
      %sub3A_974 = vector.broadcast %sub3A_973 : i32 to vector<16xi32>
      %sub3A_975 = arith.subi %get3A_969, %sub3A_974 : vector<16xi32>
      %jit3A_976 = arith.constant 99999 : i32
      %broadcast_in_dim3A_977 = vector.broadcast %jit3A_976 : i32 to vector<16xi32>
      %select_n3A_978 = arith.select %eq3A_972, %broadcast_in_dim3A_977, %sub3A_975 : vector<16xi1>, vector<16xi32>
      %swap3A_979 = arith.constant 5 : i32
      %swap3A_980 = arith.index_cast %swap3A_979 : i32 to index
      %swap3A_981 = arith.constant 64 : index
      %swap3A_982 = tpu.vector_load %arg5[%swap3A_980, %swap3A_981] {strides = array<i32>} : memref<8x128xi32, #tpu.memory_space<vmem>>, vector<1x16xi32>,
      %swap3A_983 = vector.shape_cast %swap3A_982 : vector<1x16xi32> to vector<16xi32>
      %swap3A_984 = vector.shape_cast %select_n3A_978 : vector<16xi32> to vector<1x16xi32>
      tpu.vector_store %arg5[%swap3A_980, %swap3A_981], %swap3A_984 {strides = array<i32>} : memref<8x128xi32, #tpu.memory_space<vmem>>, vector<1x16xi32>,
      %get3A_985 = arith.constant 5 : i32
      %get3A_986 = arith.index_cast %get3A_985 : i32 to index
      %get3A_987 = arith.constant 80 : index
      %get3A_988 = tpu.vector_load %arg5[%get3A_986, %get3A_987] {strides = array<i32>} : memref<8x128xi32, #tpu.memory_space<vmem>>, vector<1x16xi32>,
      %get3A_989 = vector.shape_cast %get3A_988 : vector<1x16xi32> to vector<16xi32>
      %eq3A_990 = arith.constant 0 : i32
      %eq3A_991 = vector.broadcast %eq3A_990 : i32 to vector<16xi32>
      %eq3A_992 = arith.cmpi eq, %get3A_989, %eq3A_991 : vector<16xi32>
      %sub3A_993 = arith.constant 1 : i32
      %sub3A_994 = vector.broadcast %sub3A_993 : i32 to vector<16xi32>
      %sub3A_995 = arith.subi %get3A_989, %sub3A_994 : vector<16xi32>
      %jit3A_996 = arith.constant 99999 : i32
      %broadcast_in_dim3A_997 = vector.broadcast %jit3A_996 : i32 to vector<16xi32>
      %select_n3A_998 = arith.select %eq3A_992, %broadcast_in_dim3A_997, %sub3A_995 : vector<16xi1>, vector<16xi32>
      %swap3A_999 = arith.constant 5 : i32
      %swap3A_1000 = arith.index_cast %swap3A_999 : i32 to index
      %swap3A_1001 = arith.constant 80 : index
      %swap3A_1002 = tpu.vector_load %arg5[%swap3A_1000, %swap3A_1001] {strides = array<i32>} : memref<8x128xi32, #tpu.memory_space<vmem>>, vector<1x16xi32>,
      %swap3A_1003 = vector.shape_cast %swap3A_1002 : vector<1x16xi32> to vector<16xi32>
      %swap3A_1004 = vector.shape_cast %select_n3A_998 : vector<16xi32> to vector<1x16xi32>
      tpu.vector_store %arg5[%swap3A_1000, %swap3A_1001], %swap3A_1004 {strides = array<i32>} : memref<8x128xi32, #tpu.memory_space<vmem>>, vector<1x16xi32>,
      %get3A_1005 = arith.constant 5 : i32
      %get3A_1006 = arith.index_cast %get3A_1005 : i32 to index
      %get3A_1007 = arith.constant 96 : index
      %get3A_1008 = tpu.vector_load %arg5[%get3A_1006, %get3A_1007] {strides = array<i32>} : memref<8x128xi32, #tpu.memory_space<vmem>>, vector<1x16xi32>,
      %get3A_1009 = vector.shape_cast %get3A_1008 : vector<1x16xi32> to vector<16xi32>
      %eq3A_1010 = arith.constant 0 : i32
      %eq3A_1011 = vector.broadcast %eq3A_1010 : i32 to vector<16xi32>
      %eq3A_1012 = arith.cmpi eq, %get3A_1009, %eq3A_1011 : vector<16xi32>
      %sub3A_1013 = arith.constant 1 : i32
      %sub3A_1014 = vector.broadcast %sub3A_1013 : i32 to vector<16xi32>
      %sub3A_1015 = arith.subi %get3A_1009, %sub3A_1014 : vector<16xi32>
      %jit3A_1016 = arith.constant 99999 : i32
      %broadcast_in_dim3A_1017 = vector.broadcast %jit3A_1016 : i32 to vector<16xi32>
      %select_n3A_1018 = arith.select %eq3A_1012, %broadcast_in_dim3A_1017, %sub3A_1015 : vector<16xi1>, vector<16xi32>
      %swap3A_1019 = arith.constant 5 : i32
      %swap3A_1020 = arith.index_cast %swap3A_1019 : i32 to index
      %swap3A_1021 = arith.constant 96 : index
      %swap3A_1022 = tpu.vector_load %arg5[%swap3A_1020, %swap3A_1021] {strides = array<i32>} : memref<8x128xi32, #tpu.memory_space<vmem>>, vector<1x16xi32>,
      %swap3A_1023 = vector.shape_cast %swap3A_1022 : vector<1x16xi32> to vector<16xi32>
      %swap3A_1024 = vector.shape_cast %select_n3A_1018 : vector<16xi32> to vector<1x16xi32>
      tpu.vector_store %arg5[%swap3A_1020, %swap3A_1021], %swap3A_1024 {strides = array<i32>} : memref<8x128xi32, #tpu.memory_space<vmem>>, vector<1x16xi32>,
      %get3A_1025 = arith.constant 5 : i32
      %get3A_1026 = arith.index_cast %get3A_1025 : i32 to index
      %get3A_1027 = arith.constant 112 : index
      %get3A_1028 = tpu.vector_load %arg5[%get3A_1026, %get3A_1027] {strides = array<i32>} : memref<8x128xi32, #tpu.memory_space<vmem>>, vector<1x16xi32>,
      %get3A_1029 = vector.shape_cast %get3A_1028 : vector<1x16xi32> to vector<16xi32>
      %eq3A_1030 = arith.constant 0 : i32
      %eq3A_1031 = vector.broadcast %eq3A_1030 : i32 to vector<16xi32>
      %eq3A_1032 = arith.cmpi eq, %get3A_1029, %eq3A_1031 : vector<16xi32>
      %sub3A_1033 = arith.constant 1 : i32
      %sub3A_1034 = vector.broadcast %sub3A_1033 : i32 to vector<16xi32>
      %sub3A_1035 = arith.subi %get3A_1029, %sub3A_1034 : vector<16xi32>
      %jit3A_1036 = arith.constant 99999 : i32
      %broadcast_in_dim3A_1037 = vector.broadcast %jit3A_1036 : i32 to vector<16xi32>
      %select_n3A_1038 = arith.select %eq3A_1032, %broadcast_in_dim3A_1037, %sub3A_1035 : vector<16xi1>, vector<16xi32>
      %swap3A_1039 = arith.constant 5 : i32
      %swap3A_1040 = arith.index_cast %swap3A_1039 : i32 to index
      %swap3A_1041 = arith.constant 112 : index
      %swap3A_1042 = tpu.vector_load %arg5[%swap3A_1040, %swap3A_1041] {strides = array<i32>} : memref<8x128xi32, #tpu.memory_space<vmem>>, vector<1x16xi32>,
      %swap3A_1043 = vector.shape_cast %swap3A_1042 : vector<1x16xi32> to vector<16xi32>
      %swap3A_1044 = vector.shape_cast %select_n3A_1038 : vector<16xi32> to vector<1x16xi32>
      tpu.vector_store %arg5[%swap3A_1040, %swap3A_1041], %swap3A_1044 {strides = array<i32>} : memref<8x128xi32, #tpu.memory_space<vmem>>, vector<1x16xi32>,
      %get3A_1045 = arith.constant 6 : i32
      %get3A_1046 = arith.index_cast %get3A_1045 : i32 to index
      %get3A_1047 = arith.constant 0 : index
      %get3A_1048 = tpu.vector_load %arg5[%get3A_1046, %get3A_1047] {strides = array<i32>} : memref<8x128xi32, #tpu.memory_space<vmem>>, vector<1x16xi32>,
      %get3A_1049 = vector.shape_cast %get3A_1048 : vector<1x16xi32> to vector<16xi32>
      %eq3A_1050 = arith.constant 0 : i32
      %eq3A_1051 = vector.broadcast %eq3A_1050 : i32 to vector<16xi32>
      %eq3A_1052 = arith.cmpi eq, %get3A_1049, %eq3A_1051 : vector<16xi32>
      %sub3A_1053 = arith.constant 1 : i32
      %sub3A_1054 = vector.broadcast %sub3A_1053 : i32 to vector<16xi32>
      %sub3A_1055 = arith.subi %get3A_1049, %sub3A_1054 : vector<16xi32>
      %jit3A_1056 = arith.constant 99999 : i32
      %broadcast_in_dim3A_1057 = vector.broadcast %jit3A_1056 : i32 to vector<16xi32>
      %select_n3A_1058 = arith.select %eq3A_1052, %broadcast_in_dim3A_1057, %sub3A_1055 : vector<16xi1>, vector<16xi32>
      %swap3A_1059 = arith.constant 6 : i32
      %swap3A_1060 = arith.index_cast %swap3A_1059 : i32 to index
      %swap3A_1061 = arith.constant 0 : index
      %swap3A_1062 = tpu.vector_load %arg5[%swap3A_1060, %swap3A_1061] {strides = array<i32>} : memref<8x128xi32, #tpu.memory_space<vmem>>, vector<1x16xi32>,
      %swap3A_1063 = vector.shape_cast %swap3A_1062 : vector<1x16xi32> to vector<16xi32>
      %swap3A_1064 = vector.shape_cast %select_n3A_1058 : vector<16xi32> to vector<1x16xi32>
      tpu.vector_store %arg5[%swap3A_1060, %swap3A_1061], %swap3A_1064 {strides = array<i32>} : memref<8x128xi32, #tpu.memory_space<vmem>>, vector<1x16xi32>,
      %get3A_1065 = arith.constant 6 : i32
      %get3A_1066 = arith.index_cast %get3A_1065 : i32 to index
      %get3A_1067 = arith.constant 16 : index
      %get3A_1068 = tpu.vector_load %arg5[%get3A_1066, %get3A_1067] {strides = array<i32>} : memref<8x128xi32, #tpu.memory_space<vmem>>, vector<1x16xi32>,
      %get3A_1069 = vector.shape_cast %get3A_1068 : vector<1x16xi32> to vector<16xi32>
      %eq3A_1070 = arith.constant 0 : i32
      %eq3A_1071 = vector.broadcast %eq3A_1070 : i32 to vector<16xi32>
      %eq3A_1072 = arith.cmpi eq, %get3A_1069, %eq3A_1071 : vector<16xi32>
      %sub3A_1073 = arith.constant 1 : i32
      %sub3A_1074 = vector.broadcast %sub3A_1073 : i32 to vector<16xi32>
      %sub3A_1075 = arith.subi %get3A_1069, %sub3A_1074 : vector<16xi32>
      %jit3A_1076 = arith.constant 99999 : i32
      %broadcast_in_dim3A_1077 = vector.broadcast %jit3A_1076 : i32 to vector<16xi32>
      %select_n3A_1078 = arith.select %eq3A_1072, %broadcast_in_dim3A_1077, %sub3A_1075 : vector<16xi1>, vector<16xi32>
      %swap3A_1079 = arith.constant 6 : i32
      %swap3A_1080 = arith.index_cast %swap3A_1079 : i32 to index
      %swap3A_1081 = arith.constant 16 : index
      %swap3A_1082 = tpu.vector_load %arg5[%swap3A_1080, %swap3A_1081] {strides = array<i32>} : memref<8x128xi32, #tpu.memory_space<vmem>>, vector<1x16xi32>,
      %swap3A_1083 = vector.shape_cast %swap3A_1082 : vector<1x16xi32> to vector<16xi32>
      %swap3A_1084 = vector.shape_cast %select_n3A_1078 : vector<16xi32> to vector<1x16xi32>
      tpu.vector_store %arg5[%swap3A_1080, %swap3A_1081], %swap3A_1084 {strides = array<i32>} : memref<8x128xi32, #tpu.memory_space<vmem>>, vector<1x16xi32>,
      %get3A_1085 = arith.constant 6 : i32
      %get3A_1086 = arith.index_cast %get3A_1085 : i32 to index
      %get3A_1087 = arith.constant 32 : index
      %get3A_1088 = tpu.vector_load %arg5[%get3A_1086, %get3A_1087] {strides = array<i32>} : memref<8x128xi32, #tpu.memory_space<vmem>>, vector<1x16xi32>,
      %get3A_1089 = vector.shape_cast %get3A_1088 : vector<1x16xi32> to vector<16xi32>
      %eq3A_1090 = arith.constant 0 : i32
      %eq3A_1091 = vector.broadcast %eq3A_1090 : i32 to vector<16xi32>
      %eq3A_1092 = arith.cmpi eq, %get3A_1089, %eq3A_1091 : vector<16xi32>
      %sub3A_1093 = arith.constant 1 : i32
      %sub3A_1094 = vector.broadcast %sub3A_1093 : i32 to vector<16xi32>
      %sub3A_1095 = arith.subi %get3A_1089, %sub3A_1094 : vector<16xi32>
      %jit3A_1096 = arith.constant 99999 : i32
      %broadcast_in_dim3A_1097 = vector.broadcast %jit3A_1096 : i32 to vector<16xi32>
      %select_n3A_1098 = arith.select %eq3A_1092, %broadcast_in_dim3A_1097, %sub3A_1095 : vector<16xi1>, vector<16xi32>
      %swap3A_1099 = arith.constant 6 : i32
      %swap3A_1100 = arith.index_cast %swap3A_1099 : i32 to index
      %swap3A_1101 = arith.constant 32 : index
      %swap3A_1102 = tpu.vector_load %arg5[%swap3A_1100, %swap3A_1101] {strides = array<i32>} : memref<8x128xi32, #tpu.memory_space<vmem>>, vector<1x16xi32>,
      %swap3A_1103 = vector.shape_cast %swap3A_1102 : vector<1x16xi32> to vector<16xi32>
      %swap3A_1104 = vector.shape_cast %select_n3A_1098 : vector<16xi32> to vector<1x16xi32>
      tpu.vector_store %arg5[%swap3A_1100, %swap3A_1101], %swap3A_1104 {strides = array<i32>} : memref<8x128xi32, #tpu.memory_space<vmem>>, vector<1x16xi32>,
      %get3A_1105 = arith.constant 6 : i32
      %get3A_1106 = arith.index_cast %get3A_1105 : i32 to index
      %get3A_1107 = arith.constant 48 : index
      %get3A_1108 = tpu.vector_load %arg5[%get3A_1106, %get3A_1107] {strides = array<i32>} : memref<8x128xi32, #tpu.memory_space<vmem>>, vector<1x16xi32>,
      %get3A_1109 = vector.shape_cast %get3A_1108 : vector<1x16xi32> to vector<16xi32>
      %eq3A_1110 = arith.constant 0 : i32
      %eq3A_1111 = vector.broadcast %eq3A_1110 : i32 to vector<16xi32>
      %eq3A_1112 = arith.cmpi eq, %get3A_1109, %eq3A_1111 : vector<16xi32>
      %sub3A_1113 = arith.constant 1 : i32
      %sub3A_1114 = vector.broadcast %sub3A_1113 : i32 to vector<16xi32>
      %sub3A_1115 = arith.subi %get3A_1109, %sub3A_1114 : vector<16xi32>
      %jit3A_1116 = arith.constant 99999 : i32
      %broadcast_in_dim3A_1117 = vector.broadcast %jit3A_1116 : i32 to vector<16xi32>
      %select_n3A_1118 = arith.select %eq3A_1112, %broadcast_in_dim3A_1117, %sub3A_1115 : vector<16xi1>, vector<16xi32>
      %swap3A_1119 = arith.constant 6 : i32
      %swap3A_1120 = arith.index_cast %swap3A_1119 : i32 to index
      %swap3A_1121 = arith.constant 48 : index
      %swap3A_1122 = tpu.vector_load %arg5[%swap3A_1120, %swap3A_1121] {strides = array<i32>} : memref<8x128xi32, #tpu.memory_space<vmem>>, vector<1x16xi32>,
      %swap3A_1123 = vector.shape_cast %swap3A_1122 : vector<1x16xi32> to vector<16xi32>
      %swap3A_1124 = vector.shape_cast %select_n3A_1118 : vector<16xi32> to vector<1x16xi32>
      tpu.vector_store %arg5[%swap3A_1120, %swap3A_1121], %swap3A_1124 {strides = array<i32>} : memref<8x128xi32, #tpu.memory_space<vmem>>, vector<1x16xi32>,
      %get3A_1125 = arith.constant 6 : i32
      %get3A_1126 = arith.index_cast %get3A_1125 : i32 to index
      %get3A_1127 = arith.constant 64 : index
      %get3A_1128 = tpu.vector_load %arg5[%get3A_1126, %get3A_1127] {strides = array<i32>} : memref<8x128xi32, #tpu.memory_space<vmem>>, vector<1x16xi32>,
      %get3A_1129 = vector.shape_cast %get3A_1128 : vector<1x16xi32> to vector<16xi32>
      %eq3A_1130 = arith.constant 0 : i32
      %eq3A_1131 = vector.broadcast %eq3A_1130 : i32 to vector<16xi32>
      %eq3A_1132 = arith.cmpi eq, %get3A_1129, %eq3A_1131 : vector<16xi32>
      %sub3A_1133 = arith.constant 1 : i32
      %sub3A_1134 = vector.broadcast %sub3A_1133 : i32 to vector<16xi32>
      %sub3A_1135 = arith.subi %get3A_1129, %sub3A_1134 : vector<16xi32>
      %jit3A_1136 = arith.constant 99999 : i32
      %broadcast_in_dim3A_1137 = vector.broadcast %jit3A_1136 : i32 to vector<16xi32>
      %select_n3A_1138 = arith.select %eq3A_1132, %broadcast_in_dim3A_1137, %sub3A_1135 : vector<16xi1>, vector<16xi32>
      %swap3A_1139 = arith.constant 6 : i32
      %swap3A_1140 = arith.index_cast %swap3A_1139 : i32 to index
      %swap3A_1141 = arith.constant 64 : index
      %swap3A_1142 = tpu.vector_load %arg5[%swap3A_1140, %swap3A_1141] {strides = array<i32>} : memref<8x128xi32, #tpu.memory_space<vmem>>, vector<1x16xi32>,
      %swap3A_1143 = vector.shape_cast %swap3A_1142 : vector<1x16xi32> to vector<16xi32>
      %swap3A_1144 = vector.shape_cast %select_n3A_1138 : vector<16xi32> to vector<1x16xi32>
      tpu.vector_store %arg5[%swap3A_1140, %swap3A_1141], %swap3A_1144 {strides = array<i32>} : memref<8x128xi32, #tpu.memory_space<vmem>>, vector<1x16xi32>,
      %get3A_1145 = arith.constant 6 : i32
      %get3A_1146 = arith.index_cast %get3A_1145 : i32 to index
      %get3A_1147 = arith.constant 80 : index
      %get3A_1148 = tpu.vector_load %arg5[%get3A_1146, %get3A_1147] {strides = array<i32>} : memref<8x128xi32, #tpu.memory_space<vmem>>, vector<1x16xi32>,
      %get3A_1149 = vector.shape_cast %get3A_1148 : vector<1x16xi32> to vector<16xi32>
      %eq3A_1150 = arith.constant 0 : i32
      %eq3A_1151 = vector.broadcast %eq3A_1150 : i32 to vector<16xi32>
      %eq3A_1152 = arith.cmpi eq, %get3A_1149, %eq3A_1151 : vector<16xi32>
      %sub3A_1153 = arith.constant 1 : i32
      %sub3A_1154 = vector.broadcast %sub3A_1153 : i32 to vector<16xi32>
      %sub3A_1155 = arith.subi %get3A_1149, %sub3A_1154 : vector<16xi32>
      %jit3A_1156 = arith.constant 99999 : i32
      %broadcast_in_dim3A_1157 = vector.broadcast %jit3A_1156 : i32 to vector<16xi32>
      %select_n3A_1158 = arith.select %eq3A_1152, %broadcast_in_dim3A_1157, %sub3A_1155 : vector<16xi1>, vector<16xi32>
      %swap3A_1159 = arith.constant 6 : i32
      %swap3A_1160 = arith.index_cast %swap3A_1159 : i32 to index
      %swap3A_1161 = arith.constant 80 : index
      %swap3A_1162 = tpu.vector_load %arg5[%swap3A_1160, %swap3A_1161] {strides = array<i32>} : memref<8x128xi32, #tpu.memory_space<vmem>>, vector<1x16xi32>,
      %swap3A_1163 = vector.shape_cast %swap3A_1162 : vector<1x16xi32> to vector<16xi32>
      %swap3A_1164 = vector.shape_cast %select_n3A_1158 : vector<16xi32> to vector<1x16xi32>
      tpu.vector_store %arg5[%swap3A_1160, %swap3A_1161], %swap3A_1164 {strides = array<i32>} : memref<8x128xi32, #tpu.memory_space<vmem>>, vector<1x16xi32>,
      %get3A_1165 = arith.constant 6 : i32
      %get3A_1166 = arith.index_cast %get3A_1165 : i32 to index
      %get3A_1167 = arith.constant 96 : index
      %get3A_1168 = tpu.vector_load %arg5[%get3A_1166, %get3A_1167] {strides = array<i32>} : memref<8x128xi32, #tpu.memory_space<vmem>>, vector<1x16xi32>,
      %get3A_1169 = vector.shape_cast %get3A_1168 : vector<1x16xi32> to vector<16xi32>
      %eq3A_1170 = arith.constant 0 : i32
      %eq3A_1171 = vector.broadcast %eq3A_1170 : i32 to vector<16xi32>
      %eq3A_1172 = arith.cmpi eq, %get3A_1169, %eq3A_1171 : vector<16xi32>
      %sub3A_1173 = arith.constant 1 : i32
      %sub3A_1174 = vector.broadcast %sub3A_1173 : i32 to vector<16xi32>
      %sub3A_1175 = arith.subi %get3A_1169, %sub3A_1174 : vector<16xi32>
      %jit3A_1176 = arith.constant 99999 : i32
      %broadcast_in_dim3A_1177 = vector.broadcast %jit3A_1176 : i32 to vector<16xi32>
      %select_n3A_1178 = arith.select %eq3A_1172, %broadcast_in_dim3A_1177, %sub3A_1175 : vector<16xi1>, vector<16xi32>
      %swap3A_1179 = arith.constant 6 : i32
      %swap3A_1180 = arith.index_cast %swap3A_1179 : i32 to index
      %swap3A_1181 = arith.constant 96 : index
      %swap3A_1182 = tpu.vector_load %arg5[%swap3A_1180, %swap3A_1181] {strides = array<i32>} : memref<8x128xi32, #tpu.memory_space<vmem>>, vector<1x16xi32>,
      %swap3A_1183 = vector.shape_cast %swap3A_1182 : vector<1x16xi32> to vector<16xi32>
      %swap3A_1184 = vector.shape_cast %select_n3A_1178 : vector<16xi32> to vector<1x16xi32>
      tpu.vector_store %arg5[%swap3A_1180, %swap3A_1181], %swap3A_1184 {strides = array<i32>} : memref<8x128xi32, #tpu.memory_space<vmem>>, vector<1x16xi32>,
      %get3A_1185 = arith.constant 6 : i32
      %get3A_1186 = arith.index_cast %get3A_1185 : i32 to index
      %get3A_1187 = arith.constant 112 : index
      %get3A_1188 = tpu.vector_load %arg5[%get3A_1186, %get3A_1187] {strides = array<i32>} : memref<8x128xi32, #tpu.memory_space<vmem>>, vector<1x16xi32>,
      %get3A_1189 = vector.shape_cast %get3A_1188 : vector<1x16xi32> to vector<16xi32>
      %eq3A_1190 = arith.constant 0 : i32
      %eq3A_1191 = vector.broadcast %eq3A_1190 : i32 to vector<16xi32>
      %eq3A_1192 = arith.cmpi eq, %get3A_1189, %eq3A_1191 : vector<16xi32>
      %sub3A_1193 = arith.constant 1 : i32
      %sub3A_1194 = vector.broadcast %sub3A_1193 : i32 to vector<16xi32>
      %sub3A_1195 = arith.subi %get3A_1189, %sub3A_1194 : vector<16xi32>
      %jit3A_1196 = arith.constant 99999 : i32
      %broadcast_in_dim3A_1197 = vector.broadcast %jit3A_1196 : i32 to vector<16xi32>
      %select_n3A_1198 = arith.select %eq3A_1192, %broadcast_in_dim3A_1197, %sub3A_1195 : vector<16xi1>, vector<16xi32>
      %swap3A_1199 = arith.constant 6 : i32
      %swap3A_1200 = arith.index_cast %swap3A_1199 : i32 to index
      %swap3A_1201 = arith.constant 112 : index
      %swap3A_1202 = tpu.vector_load %arg5[%swap3A_1200, %swap3A_1201] {strides = array<i32>} : memref<8x128xi32, #tpu.memory_space<vmem>>, vector<1x16xi32>,
      %swap3A_1203 = vector.shape_cast %swap3A_1202 : vector<1x16xi32> to vector<16xi32>
      %swap3A_1204 = vector.shape_cast %select_n3A_1198 : vector<16xi32> to vector<1x16xi32>
      tpu.vector_store %arg5[%swap3A_1200, %swap3A_1201], %swap3A_1204 {strides = array<i32>} : memref<8x128xi32, #tpu.memory_space<vmem>>, vector<1x16xi32>,
      %get3A_1205 = arith.constant 7 : i32
      %get3A_1206 = arith.index_cast %get3A_1205 : i32 to index
      %get3A_1207 = arith.constant 0 : index
      %get3A_1208 = tpu.vector_load %arg5[%get3A_1206, %get3A_1207] {strides = array<i32>} : memref<8x128xi32, #tpu.memory_space<vmem>>, vector<1x16xi32>,
      %get3A_1209 = vector.shape_cast %get3A_1208 : vector<1x16xi32> to vector<16xi32>
      %eq3A_1210 = arith.constant 0 : i32
      %eq3A_1211 = vector.broadcast %eq3A_1210 : i32 to vector<16xi32>
      %eq3A_1212 = arith.cmpi eq, %get3A_1209, %eq3A_1211 : vector<16xi32>
      %sub3A_1213 = arith.constant 1 : i32
      %sub3A_1214 = vector.broadcast %sub3A_1213 : i32 to vector<16xi32>
      %sub3A_1215 = arith.subi %get3A_1209, %sub3A_1214 : vector<16xi32>
      %jit3A_1216 = arith.constant 99999 : i32
      %broadcast_in_dim3A_1217 = vector.broadcast %jit3A_1216 : i32 to vector<16xi32>
      %select_n3A_1218 = arith.select %eq3A_1212, %broadcast_in_dim3A_1217, %sub3A_1215 : vector<16xi1>, vector<16xi32>
      %swap3A_1219 = arith.constant 7 : i32
      %swap3A_1220 = arith.index_cast %swap3A_1219 : i32 to index
      %swap3A_1221 = arith.constant 0 : index
      %swap3A_1222 = tpu.vector_load %arg5[%swap3A_1220, %swap3A_1221] {strides = array<i32>} : memref<8x128xi32, #tpu.memory_space<vmem>>, vector<1x16xi32>,
      %swap3A_1223 = vector.shape_cast %swap3A_1222 : vector<1x16xi32> to vector<16xi32>
      %swap3A_1224 = vector.shape_cast %select_n3A_1218 : vector<16xi32> to vector<1x16xi32>
      tpu.vector_store %arg5[%swap3A_1220, %swap3A_1221], %swap3A_1224 {strides = array<i32>} : memref<8x128xi32, #tpu.memory_space<vmem>>, vector<1x16xi32>,
      %get3A_1225 = arith.constant 7 : i32
      %get3A_1226 = arith.index_cast %get3A_1225 : i32 to index
      %get3A_1227 = arith.constant 16 : index
      %get3A_1228 = tpu.vector_load %arg5[%get3A_1226, %get3A_1227] {strides = array<i32>} : memref<8x128xi32, #tpu.memory_space<vmem>>, vector<1x16xi32>,
      %get3A_1229 = vector.shape_cast %get3A_1228 : vector<1x16xi32> to vector<16xi32>
      %eq3A_1230 = arith.constant 0 : i32
      %eq3A_1231 = vector.broadcast %eq3A_1230 : i32 to vector<16xi32>
      %eq3A_1232 = arith.cmpi eq, %get3A_1229, %eq3A_1231 : vector<16xi32>
      %sub3A_1233 = arith.constant 1 : i32
      %sub3A_1234 = vector.broadcast %sub3A_1233 : i32 to vector<16xi32>
      %sub3A_1235 = arith.subi %get3A_1229, %sub3A_1234 : vector<16xi32>
      %jit3A_1236 = arith.constant 99999 : i32
      %broadcast_in_dim3A_1237 = vector.broadcast %jit3A_1236 : i32 to vector<16xi32>
      %select_n3A_1238 = arith.select %eq3A_1232, %broadcast_in_dim3A_1237, %sub3A_1235 : vector<16xi1>, vector<16xi32>
      %swap3A_1239 = arith.constant 7 : i32
      %swap3A_1240 = arith.index_cast %swap3A_1239 : i32 to index
      %swap3A_1241 = arith.constant 16 : index
      %swap3A_1242 = tpu.vector_load %arg5[%swap3A_1240, %swap3A_1241] {strides = array<i32>} : memref<8x128xi32, #tpu.memory_space<vmem>>, vector<1x16xi32>,
      %swap3A_1243 = vector.shape_cast %swap3A_1242 : vector<1x16xi32> to vector<16xi32>
      %swap3A_1244 = vector.shape_cast %select_n3A_1238 : vector<16xi32> to vector<1x16xi32>
      tpu.vector_store %arg5[%swap3A_1240, %swap3A_1241], %swap3A_1244 {strides = array<i32>} : memref<8x128xi32, #tpu.memory_space<vmem>>, vector<1x16xi32>,
      %get3A_1245 = arith.constant 7 : i32
      %get3A_1246 = arith.index_cast %get3A_1245 : i32 to index
      %get3A_1247 = arith.constant 32 : index
      %get3A_1248 = tpu.vector_load %arg5[%get3A_1246, %get3A_1247] {strides = array<i32>} : memref<8x128xi32, #tpu.memory_space<vmem>>, vector<1x16xi32>,
      %get3A_1249 = vector.shape_cast %get3A_1248 : vector<1x16xi32> to vector<16xi32>
      %eq3A_1250 = arith.constant 0 : i32
      %eq3A_1251 = vector.broadcast %eq3A_1250 : i32 to vector<16xi32>
      %eq3A_1252 = arith.cmpi eq, %get3A_1249, %eq3A_1251 : vector<16xi32>
      %sub3A_1253 = arith.constant 1 : i32
      %sub3A_1254 = vector.broadcast %sub3A_1253 : i32 to vector<16xi32>
      %sub3A_1255 = arith.subi %get3A_1249, %sub3A_1254 : vector<16xi32>
      %jit3A_1256 = arith.constant 99999 : i32
      %broadcast_in_dim3A_1257 = vector.broadcast %jit3A_1256 : i32 to vector<16xi32>
      %select_n3A_1258 = arith.select %eq3A_1252, %broadcast_in_dim3A_1257, %sub3A_1255 : vector<16xi1>, vector<16xi32>
      %swap3A_1259 = arith.constant 7 : i32
      %swap3A_1260 = arith.index_cast %swap3A_1259 : i32 to index
      %swap3A_1261 = arith.constant 32 : index
      %swap3A_1262 = tpu.vector_load %arg5[%swap3A_1260, %swap3A_1261] {strides = array<i32>} : memref<8x128xi32, #tpu.memory_space<vmem>>, vector<1x16xi32>,
      %swap3A_1263 = vector.shape_cast %swap3A_1262 : vector<1x16xi32> to vector<16xi32>
      %swap3A_1264 = vector.shape_cast %select_n3A_1258 : vector<16xi32> to vector<1x16xi32>
      tpu.vector_store %arg5[%swap3A_1260, %swap3A_1261], %swap3A_1264 {strides = array<i32>} : memref<8x128xi32, #tpu.memory_space<vmem>>, vector<1x16xi32>,
      %get3A_1265 = arith.constant 7 : i32
      %get3A_1266 = arith.index_cast %get3A_1265 : i32 to index
      %get3A_1267 = arith.constant 48 : index
      %get3A_1268 = tpu.vector_load %arg5[%get3A_1266, %get3A_1267] {strides = array<i32>} : memref<8x128xi32, #tpu.memory_space<vmem>>, vector<1x16xi32>,
      %get3A_1269 = vector.shape_cast %get3A_1268 : vector<1x16xi32> to vector<16xi32>
      %eq3A_1270 = arith.constant 0 : i32
      %eq3A_1271 = vector.broadcast %eq3A_1270 : i32 to vector<16xi32>
      %eq3A_1272 = arith.cmpi eq, %get3A_1269, %eq3A_1271 : vector<16xi32>
      %sub3A_1273 = arith.constant 1 : i32
      %sub3A_1274 = vector.broadcast %sub3A_1273 : i32 to vector<16xi32>
      %sub3A_1275 = arith.subi %get3A_1269, %sub3A_1274 : vector<16xi32>
      %jit3A_1276 = arith.constant 99999 : i32
      %broadcast_in_dim3A_1277 = vector.broadcast %jit3A_1276 : i32 to vector<16xi32>
      %select_n3A_1278 = arith.select %eq3A_1272, %broadcast_in_dim3A_1277, %sub3A_1275 : vector<16xi1>, vector<16xi32>
      %swap3A_1279 = arith.constant 7 : i32
      %swap3A_1280 = arith.index_cast %swap3A_1279 : i32 to index
      %swap3A_1281 = arith.constant 48 : index
      %swap3A_1282 = tpu.vector_load %arg5[%swap3A_1280, %swap3A_1281] {strides = array<i32>} : memref<8x128xi32, #tpu.memory_space<vmem>>, vector<1x16xi32>,
      %swap3A_1283 = vector.shape_cast %swap3A_1282 : vector<1x16xi32> to vector<16xi32>
      %swap3A_1284 = vector.shape_cast %select_n3A_1278 : vector<16xi32> to vector<1x16xi32>
      tpu.vector_store %arg5[%swap3A_1280, %swap3A_1281], %swap3A_1284 {strides = array<i32>} : memref<8x128xi32, #tpu.memory_space<vmem>>, vector<1x16xi32>,
      %get3A_1285 = arith.constant 7 : i32
      %get3A_1286 = arith.index_cast %get3A_1285 : i32 to index
      %get3A_1287 = arith.constant 64 : index
      %get3A_1288 = tpu.vector_load %arg5[%get3A_1286, %get3A_1287] {strides = array<i32>} : memref<8x128xi32, #tpu.memory_space<vmem>>, vector<1x16xi32>,
      %get3A_1289 = vector.shape_cast %get3A_1288 : vector<1x16xi32> to vector<16xi32>
      %eq3A_1290 = arith.constant 0 : i32
      %eq3A_1291 = vector.broadcast %eq3A_1290 : i32 to vector<16xi32>
      %eq3A_1292 = arith.cmpi eq, %get3A_1289, %eq3A_1291 : vector<16xi32>
      %sub3A_1293 = arith.constant 1 : i32
      %sub3A_1294 = vector.broadcast %sub3A_1293 : i32 to vector<16xi32>
      %sub3A_1295 = arith.subi %get3A_1289, %sub3A_1294 : vector<16xi32>
      %jit3A_1296 = arith.constant 99999 : i32
      %broadcast_in_dim3A_1297 = vector.broadcast %jit3A_1296 : i32 to vector<16xi32>
      %select_n3A_1298 = arith.select %eq3A_1292, %broadcast_in_dim3A_1297, %sub3A_1295 : vector<16xi1>, vector<16xi32>
      %swap3A_1299 = arith.constant 7 : i32
      %swap3A_1300 = arith.index_cast %swap3A_1299 : i32 to index
      %swap3A_1301 = arith.constant 64 : index
      %swap3A_1302 = tpu.vector_load %arg5[%swap3A_1300, %swap3A_1301] {strides = array<i32>} : memref<8x128xi32, #tpu.memory_space<vmem>>, vector<1x16xi32>,
      %swap3A_1303 = vector.shape_cast %swap3A_1302 : vector<1x16xi32> to vector<16xi32>
      %swap3A_1304 = vector.shape_cast %select_n3A_1298 : vector<16xi32> to vector<1x16xi32>
      tpu.vector_store %arg5[%swap3A_1300, %swap3A_1301], %swap3A_1304 {strides = array<i32>} : memref<8x128xi32, #tpu.memory_space<vmem>>, vector<1x16xi32>,
      %get3A_1305 = arith.constant 7 : i32
      %get3A_1306 = arith.index_cast %get3A_1305 : i32 to index
      %get3A_1307 = arith.constant 80 : index
      %get3A_1308 = tpu.vector_load %arg5[%get3A_1306, %get3A_1307] {strides = array<i32>} : memref<8x128xi32, #tpu.memory_space<vmem>>, vector<1x16xi32>,
      %get3A_1309 = vector.shape_cast %get3A_1308 : vector<1x16xi32> to vector<16xi32>
      %eq3A_1310 = arith.constant 0 : i32
      %eq3A_1311 = vector.broadcast %eq3A_1310 : i32 to vector<16xi32>
      %eq3A_1312 = arith.cmpi eq, %get3A_1309, %eq3A_1311 : vector<16xi32>
      %sub3A_1313 = arith.constant 1 : i32
      %sub3A_1314 = vector.broadcast %sub3A_1313 : i32 to vector<16xi32>
      %sub3A_1315 = arith.subi %get3A_1309, %sub3A_1314 : vector<16xi32>
      %jit3A_1316 = arith.constant 99999 : i32
      %broadcast_in_dim3A_1317 = vector.broadcast %jit3A_1316 : i32 to vector<16xi32>
      %select_n3A_1318 = arith.select %eq3A_1312, %broadcast_in_dim3A_1317, %sub3A_1315 : vector<16xi1>, vector<16xi32>
      %swap3A_1319 = arith.constant 7 : i32
      %swap3A_1320 = arith.index_cast %swap3A_1319 : i32 to index
      %swap3A_1321 = arith.constant 80 : index
      %swap3A_1322 = tpu.vector_load %arg5[%swap3A_1320, %swap3A_1321] {strides = array<i32>} : memref<8x128xi32, #tpu.memory_space<vmem>>, vector<1x16xi32>,
      %swap3A_1323 = vector.shape_cast %swap3A_1322 : vector<1x16xi32> to vector<16xi32>
      %swap3A_1324 = vector.shape_cast %select_n3A_1318 : vector<16xi32> to vector<1x16xi32>
      tpu.vector_store %arg5[%swap3A_1320, %swap3A_1321], %swap3A_1324 {strides = array<i32>} : memref<8x128xi32, #tpu.memory_space<vmem>>, vector<1x16xi32>,
      %get3A_1325 = arith.constant 7 : i32
      %get3A_1326 = arith.index_cast %get3A_1325 : i32 to index
      %get3A_1327 = arith.constant 96 : index
      %get3A_1328 = tpu.vector_load %arg5[%get3A_1326, %get3A_1327] {strides = array<i32>} : memref<8x128xi32, #tpu.memory_space<vmem>>, vector<1x16xi32>,
      %get3A_1329 = vector.shape_cast %get3A_1328 : vector<1x16xi32> to vector<16xi32>
      %eq3A_1330 = arith.constant 0 : i32
      %eq3A_1331 = vector.broadcast %eq3A_1330 : i32 to vector<16xi32>
      %eq3A_1332 = arith.cmpi eq, %get3A_1329, %eq3A_1331 : vector<16xi32>
      %sub3A_1333 = arith.constant 1 : i32
      %sub3A_1334 = vector.broadcast %sub3A_1333 : i32 to vector<16xi32>
      %sub3A_1335 = arith.subi %get3A_1329, %sub3A_1334 : vector<16xi32>
      %jit3A_1336 = arith.constant 99999 : i32
      %broadcast_in_dim3A_1337 = vector.broadcast %jit3A_1336 : i32 to vector<16xi32>
      %select_n3A_1338 = arith.select %eq3A_1332, %broadcast_in_dim3A_1337, %sub3A_1335 : vector<16xi1>, vector<16xi32>
      %swap3A_1339 = arith.constant 7 : i32
      %swap3A_1340 = arith.index_cast %swap3A_1339 : i32 to index
      %swap3A_1341 = arith.constant 96 : index
      %swap3A_1342 = tpu.vector_load %arg5[%swap3A_1340, %swap3A_1341] {strides = array<i32>} : memref<8x128xi32, #tpu.memory_space<vmem>>, vector<1x16xi32>,
      %swap3A_1343 = vector.shape_cast %swap3A_1342 : vector<1x16xi32> to vector<16xi32>
      %swap3A_1344 = vector.shape_cast %select_n3A_1338 : vector<16xi32> to vector<1x16xi32>
      tpu.vector_store %arg5[%swap3A_1340, %swap3A_1341], %swap3A_1344 {strides = array<i32>} : memref<8x128xi32, #tpu.memory_space<vmem>>, vector<1x16xi32>,
      %get3A_1345 = arith.constant 7 : i32
      %get3A_1346 = arith.index_cast %get3A_1345 : i32 to index
      %get3A_1347 = arith.constant 112 : index
      %get3A_1348 = tpu.vector_load %arg5[%get3A_1346, %get3A_1347] {strides = array<i32>} : memref<8x128xi32, #tpu.memory_space<vmem>>, vector<1x16xi32>,
      %get3A_1349 = vector.shape_cast %get3A_1348 : vector<1x16xi32> to vector<16xi32>
      %eq3A_1350 = arith.constant 0 : i32
      %eq3A_1351 = vector.broadcast %eq3A_1350 : i32 to vector<16xi32>
      %eq3A_1352 = arith.cmpi eq, %get3A_1349, %eq3A_1351 : vector<16xi32>
      %sub3A_1353 = arith.constant 1 : i32
      %sub3A_1354 = vector.broadcast %sub3A_1353 : i32 to vector<16xi32>
      %sub3A_1355 = arith.subi %get3A_1349, %sub3A_1354 : vector<16xi32>
      %jit3A_1356 = arith.constant 99999 : i32
      %broadcast_in_dim3A_1357 = vector.broadcast %jit3A_1356 : i32 to vector<16xi32>
      %select_n3A_1358 = arith.select %eq3A_1352, %broadcast_in_dim3A_1357, %sub3A_1355 : vector<16xi1>, vector<16xi32>
      %swap3A_1359 = arith.constant 7 : i32
      %swap3A_1360 = arith.index_cast %swap3A_1359 : i32 to index
      %swap3A_1361 = arith.constant 112 : index
      %swap3A_1362 = tpu.vector_load %arg5[%swap3A_1360, %swap3A_1361] {strides = array<i32>} : memref<8x128xi32, #tpu.memory_space<vmem>>, vector<1x16xi32>,
      %swap3A_1363 = vector.shape_cast %swap3A_1362 : vector<1x16xi32> to vector<16xi32>
      %swap3A_1364 = vector.shape_cast %select_n3A_1358 : vector<16xi32> to vector<1x16xi32>
      tpu.vector_store %arg5[%swap3A_1360, %swap3A_1361], %swap3A_1364 {strides = array<i32>} : memref<8x128xi32, #tpu.memory_space<vmem>>, vector<1x16xi32>,
      %gt3A = arith.constant 0 : i32
      %gt3A_1365 = arith.cmpi sgt, %scan3A_82, %gt3A : i32
      %convert_element_type3A = arith.extui %gt3A_1365 : i1 to i32
      %cond3A = arith.constant 0 : i32
      %cond3A_1366 = arith.cmpi ne, %convert_element_type3A, %cond3A : i32
      scf.if %cond3A_1366 {
        %sub3A_1650 = arith.constant 1 : i32
        %sub3A_1651 = arith.subi %scan3A_82, %sub3A_1650 : i32
        %mul3A_1652 = arith.constant 1024 : i32
        %mul3A_1653 = arith.muli %sub3A_1651, %mul3A_1652 : i32
        %add3A_1654 = arith.addi %mul3A_2, %mul3A_1653 : i32
        %add3A_1655 = arith.constant 0 : i32
        %add3A_1656 = arith.addi %add3A_1654, %add3A_1655 : i32
        %dma_wait3A_1657 = arith.constant 0 : i32
        %dma_wait3A_1658 = arith.constant 0 : i32
        %dma_wait3A_1659 = arith.constant 0 : i32
        %dma_wait3A_1660 = tpu.memref_slice %arg6[%dma_wait3A_1657, %dma_wait3A_1658, %dma_wait3A_1659] : memref<4x256x64xf32, #tpu.memory_space<vmem>> -> memref<1x256x64xf32, #tpu.memory_space<vmem>>
        %dma_wait3A_1661 = tpu.memref_squeeze %dma_wait3A_1660 : memref<1x256x64xf32, #tpu.memory_space<vmem>> -> memref<256x64xf32, #tpu.memory_space<vmem>>
        %dma_wait3A_1662 = arith.constant 0 : i32
        %dma_wait3A_1663 = tpu.memref_slice %arg4[%add3A_1656, %dma_wait3A_1662] : memref<819200x128xf32, #tpu.memory_space<hbm>> -> memref<256x64xf32, #tpu.memory_space<hbm>>
        %dma_wait3A_1664 = arith.constant 0 : i32
        %dma_wait3A_1665 = tpu.memref_slice %arg4[%add3A_1656, %dma_wait3A_1664] : memref<819200x128xf32, #tpu.memory_space<hbm>> -> memref<256x64xf32, #tpu.memory_space<hbm>>
        %dma_wait3A_1666 = arith.constant 0 : i32
        %dma_wait3A_1667 = arith.constant 0 : i32
        %dma_wait3A_1668 = tpu.memref_slice %arg6[%dma_wait3A_1657, %dma_wait3A_1666, %dma_wait3A_1667] : memref<4x256x64xf32, #tpu.memory_space<vmem>> -> memref<1x256x64xf32, #tpu.memory_space<vmem>>
        %dma_wait3A_1669 = tpu.memref_squeeze %dma_wait3A_1668 : memref<1x256x64xf32, #tpu.memory_space<vmem>> -> memref<256x64xf32, #tpu.memory_space<vmem>>
        tpu.wait_dma2 semaphore(%arg12 : memref<!tpu.dma_semaphore, #tpu.memory_space<semaphore_mem>>) src(%dma_wait3A_1669 : memref<256x64xf32, #tpu.memory_space<vmem>>) dst(%dma_wait3A_1665 : memref<256x64xf32, #tpu.memory_space<hbm>>)
      } else {
      }
      %dma_start3A_1367 = arith.constant 0 : i32
      %dma_start3A_1368 = arith.constant 0 : i32
      %dma_start3A_1369 = arith.constant 0 : i32
      %dma_start3A_1370 = arith.constant 0 : i32
      %dma_start3A_1371 = tpu.memref_slice %arg6[%dma_start3A_1368, %dma_start3A_1369, %dma_start3A_1370] : memref<4x256x64xf32, #tpu.memory_space<vmem>> -> memref<1x128x64xf32, #tpu.memory_space<vmem>>
      %dma_start3A_1372 = tpu.memref_squeeze %dma_start3A_1371 : memref<1x128x64xf32, #tpu.memory_space<vmem>> -> memref<128x64xf32, #tpu.memory_space<vmem>>
      %dma_start3A_1373 = arith.constant 0 : i32
      %dma_start3A_1374 = tpu.memref_slice %arg5[%dma_start3A_1367, %dma_start3A_1373] : memref<8x128xi32, #tpu.memory_space<vmem>> -> memref<1x128xi32, #tpu.memory_space<vmem>>
      %dma_start3A_1375 = tpu.memref_squeeze %dma_start3A_1374 : memref<1x128xi32, #tpu.memory_space<vmem>> -> memref<128xi32, #tpu.memory_space<vmem>>
      %dma_start3A_1376 = arith.constant 0 : i32
      %dma_start3A_1377 = arith.constant 0 : i32
      %dma_start3A_1378 = tpu.memref_slice %arg3[%dma_start3A_1376, %dma_start3A_1377] : memref<100000x64xf32, #tpu.memory_space<hbm>> -> memref<100000x64xf32, #tpu.memory_space<hbm>>
      tpu.enqueue_indirect_dma source(%dma_start3A_1378 : memref<100000x64xf32, #tpu.memory_space<hbm>>) target(%dma_start3A_1372 : memref<128x64xf32, #tpu.memory_space<vmem>>) offsets(%dma_start3A_1375 : memref<128xi32, #tpu.memory_space<vmem>>) semaphore(%arg8 : memref<!tpu.dma_semaphore, #tpu.memory_space<semaphore_mem>>)
      %dma_start3A_1379 = arith.constant 1 : i32
      %dma_start3A_1380 = arith.constant 0 : i32
      %dma_start3A_1381 = arith.constant 128 : i32
      %dma_start3A_1382 = arith.constant 0 : i32
      %dma_start3A_1383 = tpu.memref_slice %arg6[%dma_start3A_1380, %dma_start3A_1381, %dma_start3A_1382] : memref<4x256x64xf32, #tpu.memory_space<vmem>> -> memref<1x128x64xf32, #tpu.memory_space<vmem>>
      %dma_start3A_1384 = tpu.memref_squeeze %dma_start3A_1383 : memref<1x128x64xf32, #tpu.memory_space<vmem>> -> memref<128x64xf32, #tpu.memory_space<vmem>>
      %dma_start3A_1385 = arith.constant 0 : i32
      %dma_start3A_1386 = tpu.memref_slice %arg5[%dma_start3A_1379, %dma_start3A_1385] : memref<8x128xi32, #tpu.memory_space<vmem>> -> memref<1x128xi32, #tpu.memory_space<vmem>>
      %dma_start3A_1387 = tpu.memref_squeeze %dma_start3A_1386 : memref<1x128xi32, #tpu.memory_space<vmem>> -> memref<128xi32, #tpu.memory_space<vmem>>
      %dma_start3A_1388 = arith.constant 0 : i32
      %dma_start3A_1389 = arith.constant 0 : i32
      %dma_start3A_1390 = tpu.memref_slice %arg3[%dma_start3A_1388, %dma_start3A_1389] : memref<100000x64xf32, #tpu.memory_space<hbm>> -> memref<100000x64xf32, #tpu.memory_space<hbm>>
      tpu.enqueue_indirect_dma source(%dma_start3A_1390 : memref<100000x64xf32, #tpu.memory_space<hbm>>) target(%dma_start3A_1384 : memref<128x64xf32, #tpu.memory_space<vmem>>) offsets(%dma_start3A_1387 : memref<128xi32, #tpu.memory_space<vmem>>) semaphore(%arg8 : memref<!tpu.dma_semaphore, #tpu.memory_space<semaphore_mem>>)
      %gt3A_1391 = arith.constant 0 : i32
      %gt3A_1392 = arith.cmpi sgt, %scan3A_82, %gt3A_1391 : i32
      %convert_element_type3A_1393 = arith.extui %gt3A_1392 : i1 to i32
      %cond3A_1394 = arith.constant 0 : i32
      %cond3A_1395 = arith.cmpi ne, %convert_element_type3A_1393, %cond3A_1394 : i32
      scf.if %cond3A_1395 {
        %sub3A_1650 = arith.constant 1 : i32
        %sub3A_1651 = arith.subi %scan3A_82, %sub3A_1650 : i32
        %mul3A_1652 = arith.constant 1024 : i32
        %mul3A_1653 = arith.muli %sub3A_1651, %mul3A_1652 : i32
        %add3A_1654 = arith.addi %mul3A_2, %mul3A_1653 : i32
        %add3A_1655 = arith.constant 256 : i32
        %add3A_1656 = arith.addi %add3A_1654, %add3A_1655 : i32
        %dma_wait3A_1657 = arith.constant 1 : i32
        %dma_wait3A_1658 = arith.constant 0 : i32
        %dma_wait3A_1659 = arith.constant 0 : i32
        %dma_wait3A_1660 = tpu.memref_slice %arg6[%dma_wait3A_1657, %dma_wait3A_1658, %dma_wait3A_1659] : memref<4x256x64xf32, #tpu.memory_space<vmem>> -> memref<1x256x64xf32, #tpu.memory_space<vmem>>
        %dma_wait3A_1661 = tpu.memref_squeeze %dma_wait3A_1660 : memref<1x256x64xf32, #tpu.memory_space<vmem>> -> memref<256x64xf32, #tpu.memory_space<vmem>>
        %dma_wait3A_1662 = arith.constant 0 : i32
        %dma_wait3A_1663 = tpu.memref_slice %arg4[%add3A_1656, %dma_wait3A_1662] : memref<819200x128xf32, #tpu.memory_space<hbm>> -> memref<256x64xf32, #tpu.memory_space<hbm>>
        %dma_wait3A_1664 = arith.constant 0 : i32
        %dma_wait3A_1665 = tpu.memref_slice %arg4[%add3A_1656, %dma_wait3A_1664] : memref<819200x128xf32, #tpu.memory_space<hbm>> -> memref<256x64xf32, #tpu.memory_space<hbm>>
        %dma_wait3A_1666 = arith.constant 0 : i32
        %dma_wait3A_1667 = arith.constant 0 : i32
        %dma_wait3A_1668 = tpu.memref_slice %arg6[%dma_wait3A_1657, %dma_wait3A_1666, %dma_wait3A_1667] : memref<4x256x64xf32, #tpu.memory_space<vmem>> -> memref<1x256x64xf32, #tpu.memory_space<vmem>>
        %dma_wait3A_1669 = tpu.memref_squeeze %dma_wait3A_1668 : memref<1x256x64xf32, #tpu.memory_space<vmem>> -> memref<256x64xf32, #tpu.memory_space<vmem>>
        tpu.wait_dma2 semaphore(%arg13 : memref<!tpu.dma_semaphore, #tpu.memory_space<semaphore_mem>>) src(%dma_wait3A_1669 : memref<256x64xf32, #tpu.memory_space<vmem>>) dst(%dma_wait3A_1665 : memref<256x64xf32, #tpu.memory_space<hbm>>)
      } else {
      }
      %dma_start3A_1396 = arith.constant 2 : i32
      %dma_start3A_1397 = arith.constant 1 : i32
      %dma_start3A_1398 = arith.constant 0 : i32
      %dma_start3A_1399 = arith.constant 0 : i32
      %dma_start3A_1400 = tpu.memref_slice %arg6[%dma_start3A_1397, %dma_start3A_1398, %dma_start3A_1399] : memref<4x256x64xf32, #tpu.memory_space<vmem>> -> memref<1x128x64xf32, #tpu.memory_space<vmem>>
      %dma_start3A_1401 = tpu.memref_squeeze %dma_start3A_1400 : memref<1x128x64xf32, #tpu.memory_space<vmem>> -> memref<128x64xf32, #tpu.memory_space<vmem>>
      %dma_start3A_1402 = arith.constant 0 : i32
      %dma_start3A_1403 = tpu.memref_slice %arg5[%dma_start3A_1396, %dma_start3A_1402] : memref<8x128xi32, #tpu.memory_space<vmem>> -> memref<1x128xi32, #tpu.memory_space<vmem>>
      %dma_start3A_1404 = tpu.memref_squeeze %dma_start3A_1403 : memref<1x128xi32, #tpu.memory_space<vmem>> -> memref<128xi32, #tpu.memory_space<vmem>>
      %dma_start3A_1405 = arith.constant 0 : i32
      %dma_start3A_1406 = arith.constant 0 : i32
      %dma_start3A_1407 = tpu.memref_slice %arg3[%dma_start3A_1405, %dma_start3A_1406] : memref<100000x64xf32, #tpu.memory_space<hbm>> -> memref<100000x64xf32, #tpu.memory_space<hbm>>
      tpu.enqueue_indirect_dma source(%dma_start3A_1407 : memref<100000x64xf32, #tpu.memory_space<hbm>>) target(%dma_start3A_1401 : memref<128x64xf32, #tpu.memory_space<vmem>>) offsets(%dma_start3A_1404 : memref<128xi32, #tpu.memory_space<vmem>>) semaphore(%arg9 : memref<!tpu.dma_semaphore, #tpu.memory_space<semaphore_mem>>)
      %dma_start3A_1408 = arith.constant 3 : i32
      %dma_start3A_1409 = arith.constant 1 : i32
      %dma_start3A_1410 = arith.constant 128 : i32
      %dma_start3A_1411 = arith.constant 0 : i32
      %dma_start3A_1412 = tpu.memref_slice %arg6[%dma_start3A_1409, %dma_start3A_1410, %dma_start3A_1411] : memref<4x256x64xf32, #tpu.memory_space<vmem>> -> memref<1x128x64xf32, #tpu.memory_space<vmem>>
      %dma_start3A_1413 = tpu.memref_squeeze %dma_start3A_1412 : memref<1x128x64xf32, #tpu.memory_space<vmem>> -> memref<128x64xf32, #tpu.memory_space<vmem>>
      %dma_start3A_1414 = arith.constant 0 : i32
      %dma_start3A_1415 = tpu.memref_slice %arg5[%dma_start3A_1408, %dma_start3A_1414] : memref<8x128xi32, #tpu.memory_space<vmem>> -> memref<1x128xi32, #tpu.memory_space<vmem>>
      %dma_start3A_1416 = tpu.memref_squeeze %dma_start3A_1415 : memref<1x128xi32, #tpu.memory_space<vmem>> -> memref<128xi32, #tpu.memory_space<vmem>>
      %dma_start3A_1417 = arith.constant 0 : i32
      %dma_start3A_1418 = arith.constant 0 : i32
      %dma_start3A_1419 = tpu.memref_slice %arg3[%dma_start3A_1417, %dma_start3A_1418] : memref<100000x64xf32, #tpu.memory_space<hbm>> -> memref<100000x64xf32, #tpu.memory_space<hbm>>
      tpu.enqueue_indirect_dma source(%dma_start3A_1419 : memref<100000x64xf32, #tpu.memory_space<hbm>>) target(%dma_start3A_1413 : memref<128x64xf32, #tpu.memory_space<vmem>>) offsets(%dma_start3A_1416 : memref<128xi32, #tpu.memory_space<vmem>>) semaphore(%arg9 : memref<!tpu.dma_semaphore, #tpu.memory_space<semaphore_mem>>)
      %gt3A_1420 = arith.constant 0 : i32
      %gt3A_1421 = arith.cmpi sgt, %scan3A_82, %gt3A_1420 : i32
      %convert_element_type3A_1422 = arith.extui %gt3A_1421 : i1 to i32
      %cond3A_1423 = arith.constant 0 : i32
      %cond3A_1424 = arith.cmpi ne, %convert_element_type3A_1422, %cond3A_1423 : i32
      scf.if %cond3A_1424 {
        %sub3A_1650 = arith.constant 1 : i32
        %sub3A_1651 = arith.subi %scan3A_82, %sub3A_1650 : i32
        %mul3A_1652 = arith.constant 1024 : i32
        %mul3A_1653 = arith.muli %sub3A_1651, %mul3A_1652 : i32
        %add3A_1654 = arith.addi %mul3A_2, %mul3A_1653 : i32
        %add3A_1655 = arith.constant 512 : i32
        %add3A_1656 = arith.addi %add3A_1654, %add3A_1655 : i32
        %dma_wait3A_1657 = arith.constant 2 : i32
        %dma_wait3A_1658 = arith.constant 0 : i32
        %dma_wait3A_1659 = arith.constant 0 : i32
        %dma_wait3A_1660 = tpu.memref_slice %arg6[%dma_wait3A_1657, %dma_wait3A_1658, %dma_wait3A_1659] : memref<4x256x64xf32, #tpu.memory_space<vmem>> -> memref<1x256x64xf32, #tpu.memory_space<vmem>>
        %dma_wait3A_1661 = tpu.memref_squeeze %dma_wait3A_1660 : memref<1x256x64xf32, #tpu.memory_space<vmem>> -> memref<256x64xf32, #tpu.memory_space<vmem>>
        %dma_wait3A_1662 = arith.constant 0 : i32
        %dma_wait3A_1663 = tpu.memref_slice %arg4[%add3A_1656, %dma_wait3A_1662] : memref<819200x128xf32, #tpu.memory_space<hbm>> -> memref<256x64xf32, #tpu.memory_space<hbm>>
        %dma_wait3A_1664 = arith.constant 0 : i32
        %dma_wait3A_1665 = tpu.memref_slice %arg4[%add3A_1656, %dma_wait3A_1664] : memref<819200x128xf32, #tpu.memory_space<hbm>> -> memref<256x64xf32, #tpu.memory_space<hbm>>
        %dma_wait3A_1666 = arith.constant 0 : i32
        %dma_wait3A_1667 = arith.constant 0 : i32
        %dma_wait3A_1668 = tpu.memref_slice %arg6[%dma_wait3A_1657, %dma_wait3A_1666, %dma_wait3A_1667] : memref<4x256x64xf32, #tpu.memory_space<vmem>> -> memref<1x256x64xf32, #tpu.memory_space<vmem>>
        %dma_wait3A_1669 = tpu.memref_squeeze %dma_wait3A_1668 : memref<1x256x64xf32, #tpu.memory_space<vmem>> -> memref<256x64xf32, #tpu.memory_space<vmem>>
        tpu.wait_dma2 semaphore(%arg14 : memref<!tpu.dma_semaphore, #tpu.memory_space<semaphore_mem>>) src(%dma_wait3A_1669 : memref<256x64xf32, #tpu.memory_space<vmem>>) dst(%dma_wait3A_1665 : memref<256x64xf32, #tpu.memory_space<hbm>>)
      } else {
      }
      %dma_start3A_1425 = arith.constant 4 : i32
      %dma_start3A_1426 = arith.constant 2 : i32
      %dma_start3A_1427 = arith.constant 0 : i32
      %dma_start3A_1428 = arith.constant 0 : i32
      %dma_start3A_1429 = tpu.memref_slice %arg6[%dma_start3A_1426, %dma_start3A_1427, %dma_start3A_1428] : memref<4x256x64xf32, #tpu.memory_space<vmem>> -> memref<1x128x64xf32, #tpu.memory_space<vmem>>
      %dma_start3A_1430 = tpu.memref_squeeze %dma_start3A_1429 : memref<1x128x64xf32, #tpu.memory_space<vmem>> -> memref<128x64xf32, #tpu.memory_space<vmem>>
      %dma_start3A_1431 = arith.constant 0 : i32
      %dma_start3A_1432 = tpu.memref_slice %arg5[%dma_start3A_1425, %dma_start3A_1431] : memref<8x128xi32, #tpu.memory_space<vmem>> -> memref<1x128xi32, #tpu.memory_space<vmem>>
      %dma_start3A_1433 = tpu.memref_squeeze %dma_start3A_1432 : memref<1x128xi32, #tpu.memory_space<vmem>> -> memref<128xi32, #tpu.memory_space<vmem>>
      %dma_start3A_1434 = arith.constant 0 : i32
      %dma_start3A_1435 = arith.constant 0 : i32
      %dma_start3A_1436 = tpu.memref_slice %arg3[%dma_start3A_1434, %dma_start3A_1435] : memref<100000x64xf32, #tpu.memory_space<hbm>> -> memref<100000x64xf32, #tpu.memory_space<hbm>>
      tpu.enqueue_indirect_dma source(%dma_start3A_1436 : memref<100000x64xf32, #tpu.memory_space<hbm>>) target(%dma_start3A_1430 : memref<128x64xf32, #tpu.memory_space<vmem>>) offsets(%dma_start3A_1433 : memref<128xi32, #tpu.memory_space<vmem>>) semaphore(%arg10 : memref<!tpu.dma_semaphore, #tpu.memory_space<semaphore_mem>>)
      %dma_start3A_1437 = arith.constant 5 : i32
      %dma_start3A_1438 = arith.constant 2 : i32
      %dma_start3A_1439 = arith.constant 128 : i32
      %dma_start3A_1440 = arith.constant 0 : i32
      %dma_start3A_1441 = tpu.memref_slice %arg6[%dma_start3A_1438, %dma_start3A_1439, %dma_start3A_1440] : memref<4x256x64xf32, #tpu.memory_space<vmem>> -> memref<1x128x64xf32, #tpu.memory_space<vmem>>
      %dma_start3A_1442 = tpu.memref_squeeze %dma_start3A_1441 : memref<1x128x64xf32, #tpu.memory_space<vmem>> -> memref<128x64xf32, #tpu.memory_space<vmem>>
      %dma_start3A_1443 = arith.constant 0 : i32
      %dma_start3A_1444 = tpu.memref_slice %arg5[%dma_start3A_1437, %dma_start3A_1443] : memref<8x128xi32, #tpu.memory_space<vmem>> -> memref<1x128xi32, #tpu.memory_space<vmem>>
      %dma_start3A_1445 = tpu.memref_squeeze %dma_start3A_1444 : memref<1x128xi32, #tpu.memory_space<vmem>> -> memref<128xi32, #tpu.memory_space<vmem>>
      %dma_start3A_1446 = arith.constant 0 : i32
      %dma_start3A_1447 = arith.constant 0 : i32
      %dma_start3A_1448 = tpu.memref_slice %arg3[%dma_start3A_1446, %dma_start3A_1447] : memref<100000x64xf32, #tpu.memory_space<hbm>> -> memref<100000x64xf32, #tpu.memory_space<hbm>>
      tpu.enqueue_indirect_dma source(%dma_start3A_1448 : memref<100000x64xf32, #tpu.memory_space<hbm>>) target(%dma_start3A_1442 : memref<128x64xf32, #tpu.memory_space<vmem>>) offsets(%dma_start3A_1445 : memref<128xi32, #tpu.memory_space<vmem>>) semaphore(%arg10 : memref<!tpu.dma_semaphore, #tpu.memory_space<semaphore_mem>>)
      %gt3A_1449 = arith.constant 0 : i32
      %gt3A_1450 = arith.cmpi sgt, %scan3A_82, %gt3A_1449 : i32
      %convert_element_type3A_1451 = arith.extui %gt3A_1450 : i1 to i32
      %cond3A_1452 = arith.constant 0 : i32
      %cond3A_1453 = arith.cmpi ne, %convert_element_type3A_1451, %cond3A_1452 : i32
      scf.if %cond3A_1453 {
        %sub3A_1650 = arith.constant 1 : i32
        %sub3A_1651 = arith.subi %scan3A_82, %sub3A_1650 : i32
        %mul3A_1652 = arith.constant 1024 : i32
        %mul3A_1653 = arith.muli %sub3A_1651, %mul3A_1652 : i32
        %add3A_1654 = arith.addi %mul3A_2, %mul3A_1653 : i32
        %add3A_1655 = arith.constant 768 : i32
        %add3A_1656 = arith.addi %add3A_1654, %add3A_1655 : i32
        %dma_wait3A_1657 = arith.constant 3 : i32
        %dma_wait3A_1658 = arith.constant 0 : i32
        %dma_wait3A_1659 = arith.constant 0 : i32
        %dma_wait3A_1660 = tpu.memref_slice %arg6[%dma_wait3A_1657, %dma_wait3A_1658, %dma_wait3A_1659] : memref<4x256x64xf32, #tpu.memory_space<vmem>> -> memref<1x256x64xf32, #tpu.memory_space<vmem>>
        %dma_wait3A_1661 = tpu.memref_squeeze %dma_wait3A_1660 : memref<1x256x64xf32, #tpu.memory_space<vmem>> -> memref<256x64xf32, #tpu.memory_space<vmem>>
        %dma_wait3A_1662 = arith.constant 0 : i32
        %dma_wait3A_1663 = tpu.memref_slice %arg4[%add3A_1656, %dma_wait3A_1662] : memref<819200x128xf32, #tpu.memory_space<hbm>> -> memref<256x64xf32, #tpu.memory_space<hbm>>
        %dma_wait3A_1664 = arith.constant 0 : i32
        %dma_wait3A_1665 = tpu.memref_slice %arg4[%add3A_1656, %dma_wait3A_1664] : memref<819200x128xf32, #tpu.memory_space<hbm>> -> memref<256x64xf32, #tpu.memory_space<hbm>>
        %dma_wait3A_1666 = arith.constant 0 : i32
        %dma_wait3A_1667 = arith.constant 0 : i32
        %dma_wait3A_1668 = tpu.memref_slice %arg6[%dma_wait3A_1657, %dma_wait3A_1666, %dma_wait3A_1667] : memref<4x256x64xf32, #tpu.memory_space<vmem>> -> memref<1x256x64xf32, #tpu.memory_space<vmem>>
        %dma_wait3A_1669 = tpu.memref_squeeze %dma_wait3A_1668 : memref<1x256x64xf32, #tpu.memory_space<vmem>> -> memref<256x64xf32, #tpu.memory_space<vmem>>
        tpu.wait_dma2 semaphore(%arg15 : memref<!tpu.dma_semaphore, #tpu.memory_space<semaphore_mem>>) src(%dma_wait3A_1669 : memref<256x64xf32, #tpu.memory_space<vmem>>) dst(%dma_wait3A_1665 : memref<256x64xf32, #tpu.memory_space<hbm>>)
      } else {
      }
      %dma_start3A_1454 = arith.constant 6 : i32
      %dma_start3A_1455 = arith.constant 3 : i32
      %dma_start3A_1456 = arith.constant 0 : i32
      %dma_start3A_1457 = arith.constant 0 : i32
      %dma_start3A_1458 = tpu.memref_slice %arg6[%dma_start3A_1455, %dma_start3A_1456, %dma_start3A_1457] : memref<4x256x64xf32, #tpu.memory_space<vmem>> -> memref<1x128x64xf32, #tpu.memory_space<vmem>>
      %dma_start3A_1459 = tpu.memref_squeeze %dma_start3A_1458 : memref<1x128x64xf32, #tpu.memory_space<vmem>> -> memref<128x64xf32, #tpu.memory_space<vmem>>
      %dma_start3A_1460 = arith.constant 0 : i32
      %dma_start3A_1461 = tpu.memref_slice %arg5[%dma_start3A_1454, %dma_start3A_1460] : memref<8x128xi32, #tpu.memory_space<vmem>> -> memref<1x128xi32, #tpu.memory_space<vmem>>
      %dma_start3A_1462 = tpu.memref_squeeze %dma_start3A_1461 : memref<1x128xi32, #tpu.memory_space<vmem>> -> memref<128xi32, #tpu.memory_space<vmem>>
      %dma_start3A_1463 = arith.constant 0 : i32
      %dma_start3A_1464 = arith.constant 0 : i32
      %dma_start3A_1465 = tpu.memref_slice %arg3[%dma_start3A_1463, %dma_start3A_1464] : memref<100000x64xf32, #tpu.memory_space<hbm>> -> memref<100000x64xf32, #tpu.memory_space<hbm>>
      tpu.enqueue_indirect_dma source(%dma_start3A_1465 : memref<100000x64xf32, #tpu.memory_space<hbm>>) target(%dma_start3A_1459 : memref<128x64xf32, #tpu.memory_space<vmem>>) offsets(%dma_start3A_1462 : memref<128xi32, #tpu.memory_space<vmem>>) semaphore(%arg11 : memref<!tpu.dma_semaphore, #tpu.memory_space<semaphore_mem>>)
      %dma_start3A_1466 = arith.constant 7 : i32
      %dma_start3A_1467 = arith.constant 3 : i32
      %dma_start3A_1468 = arith.constant 128 : i32
      %dma_start3A_1469 = arith.constant 0 : i32
      %dma_start3A_1470 = tpu.memref_slice %arg6[%dma_start3A_1467, %dma_start3A_1468, %dma_start3A_1469] : memref<4x256x64xf32, #tpu.memory_space<vmem>> -> memref<1x128x64xf32, #tpu.memory_space<vmem>>
      %dma_start3A_1471 = tpu.memref_squeeze %dma_start3A_1470 : memref<1x128x64xf32, #tpu.memory_space<vmem>> -> memref<128x64xf32, #tpu.memory_space<vmem>>
      %dma_start3A_1472 = arith.constant 0 : i32
      %dma_start3A_1473 = tpu.memref_slice %arg5[%dma_start3A_1466, %dma_start3A_1472] : memref<8x128xi32, #tpu.memory_space<vmem>> -> memref<1x128xi32, #tpu.memory_space<vmem>>
      %dma_start3A_1474 = tpu.memref_squeeze %dma_start3A_1473 : memref<1x128xi32, #tpu.memory_space<vmem>> -> memref<128xi32, #tpu.memory_space<vmem>>
      %dma_start3A_1475 = arith.constant 0 : i32
      %dma_start3A_1476 = arith.constant 0 : i32
      %dma_start3A_1477 = tpu.memref_slice %arg3[%dma_start3A_1475, %dma_start3A_1476] : memref<100000x64xf32, #tpu.memory_space<hbm>> -> memref<100000x64xf32, #tpu.memory_space<hbm>>
      tpu.enqueue_indirect_dma source(%dma_start3A_1477 : memref<100000x64xf32, #tpu.memory_space<hbm>>) target(%dma_start3A_1471 : memref<128x64xf32, #tpu.memory_space<vmem>>) offsets(%dma_start3A_1474 : memref<128xi32, #tpu.memory_space<vmem>>) semaphore(%arg11 : memref<!tpu.dma_semaphore, #tpu.memory_space<semaphore_mem>>)
      %dma_wait3A_1478 = arith.constant 0 : i32
      %dma_wait3A_1479 = arith.constant 0 : i32
      %dma_wait3A_1480 = arith.constant 0 : i32
      %dma_wait3A_1481 = arith.constant 0 : i32
      %dma_wait3A_1482 = tpu.memref_slice %arg6[%dma_wait3A_1479, %dma_wait3A_1480, %dma_wait3A_1481] : memref<4x256x64xf32, #tpu.memory_space<vmem>> -> memref<1x128x64xf32, #tpu.memory_space<vmem>>
      %dma_wait3A_1483 = tpu.memref_squeeze %dma_wait3A_1482 : memref<1x128x64xf32, #tpu.memory_space<vmem>> -> memref<128x64xf32, #tpu.memory_space<vmem>>
      %dma_wait3A_1484 = arith.constant 0 : i32
      %dma_wait3A_1485 = tpu.memref_slice %arg5[%dma_wait3A_1478, %dma_wait3A_1484] : memref<8x128xi32, #tpu.memory_space<vmem>> -> memref<1x128xi32, #tpu.memory_space<vmem>>
      %dma_wait3A_1486 = tpu.memref_squeeze %dma_wait3A_1485 : memref<1x128xi32, #tpu.memory_space<vmem>> -> memref<128xi32, #tpu.memory_space<vmem>>
      %dma_wait3A_1487 = arith.constant 0 : i32
      %dma_wait3A_1488 = arith.constant 0 : i32
      %dma_wait3A_1489 = tpu.memref_slice %arg3[%dma_wait3A_1487, %dma_wait3A_1488] : memref<100000x64xf32, #tpu.memory_space<hbm>> -> memref<100000x64xf32, #tpu.memory_space<hbm>>
      tpu.wait_indirect_dma semaphore(%arg8 : memref<!tpu.dma_semaphore, #tpu.memory_space<semaphore_mem>>) src(%dma_wait3A_1489 : memref<100000x64xf32, #tpu.memory_space<hbm>>) dst(%dma_wait3A_1483 : memref<128x64xf32, #tpu.memory_space<vmem>>)
      %dma_wait3A_1490 = arith.constant 1 : i32
      %dma_wait3A_1491 = arith.constant 0 : i32
      %dma_wait3A_1492 = arith.constant 128 : i32
      %dma_wait3A_1493 = arith.constant 0 : i32
      %dma_wait3A_1494 = tpu.memref_slice %arg6[%dma_wait3A_1491, %dma_wait3A_1492, %dma_wait3A_1493] : memref<4x256x64xf32, #tpu.memory_space<vmem>> -> memref<1x128x64xf32, #tpu.memory_space<vmem>>
      %dma_wait3A_1495 = tpu.memref_squeeze %dma_wait3A_1494 : memref<1x128x64xf32, #tpu.memory_space<vmem>> -> memref<128x64xf32, #tpu.memory_space<vmem>>
      %dma_wait3A_1496 = arith.constant 0 : i32
      %dma_wait3A_1497 = tpu.memref_slice %arg5[%dma_wait3A_1490, %dma_wait3A_1496] : memref<8x128xi32, #tpu.memory_space<vmem>> -> memref<1x128xi32, #tpu.memory_space<vmem>>
      %dma_wait3A_1498 = tpu.memref_squeeze %dma_wait3A_1497 : memref<1x128xi32, #tpu.memory_space<vmem>> -> memref<128xi32, #tpu.memory_space<vmem>>
      %dma_wait3A_1499 = arith.constant 0 : i32
      %dma_wait3A_1500 = arith.constant 0 : i32
      %dma_wait3A_1501 = tpu.memref_slice %arg3[%dma_wait3A_1499, %dma_wait3A_1500] : memref<100000x64xf32, #tpu.memory_space<hbm>> -> memref<100000x64xf32, #tpu.memory_space<hbm>>
      tpu.wait_indirect_dma semaphore(%arg8 : memref<!tpu.dma_semaphore, #tpu.memory_space<semaphore_mem>>) src(%dma_wait3A_1501 : memref<100000x64xf32, #tpu.memory_space<hbm>>) dst(%dma_wait3A_1495 : memref<128x64xf32, #tpu.memory_space<vmem>>)
      %mul3A_1502 = arith.constant 1024 : i32
      %mul3A_1503 = arith.muli %scan3A_82, %mul3A_1502 : i32
      %add3A_1504 = arith.addi %mul3A_2, %mul3A_1503 : i32
      %add3A_1505 = arith.constant 0 : i32
      %add3A_1506 = arith.addi %add3A_1504, %add3A_1505 : i32
      %dma_start3A_1507 = arith.constant 0 : i32
      %dma_start3A_1508 = arith.constant 0 : i32
      %dma_start3A_1509 = arith.constant 0 : i32
      %dma_start3A_1510 = tpu.memref_slice %arg6[%dma_start3A_1507, %dma_start3A_1508, %dma_start3A_1509] : memref<4x256x64xf32, #tpu.memory_space<vmem>> -> memref<1x256x64xf32, #tpu.memory_space<vmem>>
      %dma_start3A_1511 = tpu.memref_squeeze %dma_start3A_1510 : memref<1x256x64xf32, #tpu.memory_space<vmem>> -> memref<256x64xf32, #tpu.memory_space<vmem>>
      %dma_start3A_1512 = arith.constant 0 : i32
      %dma_start3A_1513 = tpu.memref_slice %arg4[%add3A_1506, %dma_start3A_1512] : memref<819200x128xf32, #tpu.memory_space<hbm>> -> memref<256x64xf32, #tpu.memory_space<hbm>>
      %dma_start3A_1514 = arith.constant 0 : i32
      %dma_start3A_1515 = tpu.memref_slice %arg4[%add3A_1506, %dma_start3A_1514] : memref<819200x128xf32, #tpu.memory_space<hbm>> -> memref<256x64xf32, #tpu.memory_space<hbm>>
      %dma_start3A_1516 = arith.constant 0 : i32
      %dma_start3A_1517 = arith.constant 0 : i32
      %dma_start3A_1518 = tpu.memref_slice %arg6[%dma_start3A_1507, %dma_start3A_1516, %dma_start3A_1517] : memref<4x256x64xf32, #tpu.memory_space<vmem>> -> memref<1x256x64xf32, #tpu.memory_space<vmem>>
      %dma_start3A_1519 = tpu.memref_squeeze %dma_start3A_1518 : memref<1x256x64xf32, #tpu.memory_space<vmem>> -> memref<256x64xf32, #tpu.memory_space<vmem>>
      tpu.enqueue_dma source(%dma_start3A_1519 : memref<256x64xf32, #tpu.memory_space<vmem>>) target(%dma_start3A_1515 : memref<256x64xf32, #tpu.memory_space<hbm>>) target_semaphore(%arg12 : memref<!tpu.dma_semaphore, #tpu.memory_space<semaphore_mem>>)
      %dma_wait3A_1520 = arith.constant 2 : i32
      %dma_wait3A_1521 = arith.constant 1 : i32
      %dma_wait3A_1522 = arith.constant 0 : i32
      %dma_wait3A_1523 = arith.constant 0 : i32
      %dma_wait3A_1524 = tpu.memref_slice %arg6[%dma_wait3A_1521, %dma_wait3A_1522, %dma_wait3A_1523] : memref<4x256x64xf32, #tpu.memory_space<vmem>> -> memref<1x128x64xf32, #tpu.memory_space<vmem>>
      %dma_wait3A_1525 = tpu.memref_squeeze %dma_wait3A_1524 : memref<1x128x64xf32, #tpu.memory_space<vmem>> -> memref<128x64xf32, #tpu.memory_space<vmem>>
      %dma_wait3A_1526 = arith.constant 0 : i32
      %dma_wait3A_1527 = tpu.memref_slice %arg5[%dma_wait3A_1520, %dma_wait3A_1526] : memref<8x128xi32, #tpu.memory_space<vmem>> -> memref<1x128xi32, #tpu.memory_space<vmem>>
      %dma_wait3A_1528 = tpu.memref_squeeze %dma_wait3A_1527 : memref<1x128xi32, #tpu.memory_space<vmem>> -> memref<128xi32, #tpu.memory_space<vmem>>
      %dma_wait3A_1529 = arith.constant 0 : i32
      %dma_wait3A_1530 = arith.constant 0 : i32
      %dma_wait3A_1531 = tpu.memref_slice %arg3[%dma_wait3A_1529, %dma_wait3A_1530] : memref<100000x64xf32, #tpu.memory_space<hbm>> -> memref<100000x64xf32, #tpu.memory_space<hbm>>
      tpu.wait_indirect_dma semaphore(%arg9 : memref<!tpu.dma_semaphore, #tpu.memory_space<semaphore_mem>>) src(%dma_wait3A_1531 : memref<100000x64xf32, #tpu.memory_space<hbm>>) dst(%dma_wait3A_1525 : memref<128x64xf32, #tpu.memory_space<vmem>>)
      %dma_wait3A_1532 = arith.constant 3 : i32
      %dma_wait3A_1533 = arith.constant 1 : i32
      %dma_wait3A_1534 = arith.constant 128 : i32
      %dma_wait3A_1535 = arith.constant 0 : i32
      %dma_wait3A_1536 = tpu.memref_slice %arg6[%dma_wait3A_1533, %dma_wait3A_1534, %dma_wait3A_1535] : memref<4x256x64xf32, #tpu.memory_space<vmem>> -> memref<1x128x64xf32, #tpu.memory_space<vmem>>
      %dma_wait3A_1537 = tpu.memref_squeeze %dma_wait3A_1536 : memref<1x128x64xf32, #tpu.memory_space<vmem>> -> memref<128x64xf32, #tpu.memory_space<vmem>>
      %dma_wait3A_1538 = arith.constant 0 : i32
      %dma_wait3A_1539 = tpu.memref_slice %arg5[%dma_wait3A_1532, %dma_wait3A_1538] : memref<8x128xi32, #tpu.memory_space<vmem>> -> memref<1x128xi32, #tpu.memory_space<vmem>>
      %dma_wait3A_1540 = tpu.memref_squeeze %dma_wait3A_1539 : memref<1x128xi32, #tpu.memory_space<vmem>> -> memref<128xi32, #tpu.memory_space<vmem>>
      %dma_wait3A_1541 = arith.constant 0 : i32
      %dma_wait3A_1542 = arith.constant 0 : i32
      %dma_wait3A_1543 = tpu.memref_slice %arg3[%dma_wait3A_1541, %dma_wait3A_1542] : memref<100000x64xf32, #tpu.memory_space<hbm>> -> memref<100000x64xf32, #tpu.memory_space<hbm>>
      tpu.wait_indirect_dma semaphore(%arg9 : memref<!tpu.dma_semaphore, #tpu.memory_space<semaphore_mem>>) src(%dma_wait3A_1543 : memref<100000x64xf32, #tpu.memory_space<hbm>>) dst(%dma_wait3A_1537 : memref<128x64xf32, #tpu.memory_space<vmem>>)
      %mul3A_1544 = arith.constant 1024 : i32
      %mul3A_1545 = arith.muli %scan3A_82, %mul3A_1544 : i32
      %add3A_1546 = arith.addi %mul3A_2, %mul3A_1545 : i32
      %add3A_1547 = arith.constant 256 : i32
      %add3A_1548 = arith.addi %add3A_1546, %add3A_1547 : i32
      %dma_start3A_1549 = arith.constant 1 : i32
      %dma_start3A_1550 = arith.constant 0 : i32
      %dma_start3A_1551 = arith.constant 0 : i32
      %dma_start3A_1552 = tpu.memref_slice %arg6[%dma_start3A_1549, %dma_start3A_1550, %dma_start3A_1551] : memref<4x256x64xf32, #tpu.memory_space<vmem>> -> memref<1x256x64xf32, #tpu.memory_space<vmem>>
      %dma_start3A_1553 = tpu.memref_squeeze %dma_start3A_1552 : memref<1x256x64xf32, #tpu.memory_space<vmem>> -> memref<256x64xf32, #tpu.memory_space<vmem>>
      %dma_start3A_1554 = arith.constant 0 : i32
      %dma_start3A_1555 = tpu.memref_slice %arg4[%add3A_1548, %dma_start3A_1554] : memref<819200x128xf32, #tpu.memory_space<hbm>> -> memref<256x64xf32, #tpu.memory_space<hbm>>
      %dma_start3A_1556 = arith.constant 0 : i32
      %dma_start3A_1557 = tpu.memref_slice %arg4[%add3A_1548, %dma_start3A_1556] : memref<819200x128xf32, #tpu.memory_space<hbm>> -> memref<256x64xf32, #tpu.memory_space<hbm>>
      %dma_start3A_1558 = arith.constant 0 : i32
      %dma_start3A_1559 = arith.constant 0 : i32
      %dma_start3A_1560 = tpu.memref_slice %arg6[%dma_start3A_1549, %dma_start3A_1558, %dma_start3A_1559] : memref<4x256x64xf32, #tpu.memory_space<vmem>> -> memref<1x256x64xf32, #tpu.memory_space<vmem>>
      %dma_start3A_1561 = tpu.memref_squeeze %dma_start3A_1560 : memref<1x256x64xf32, #tpu.memory_space<vmem>> -> memref<256x64xf32, #tpu.memory_space<vmem>>
      tpu.enqueue_dma source(%dma_start3A_1561 : memref<256x64xf32, #tpu.memory_space<vmem>>) target(%dma_start3A_1557 : memref<256x64xf32, #tpu.memory_space<hbm>>) target_semaphore(%arg13 : memref<!tpu.dma_semaphore, #tpu.memory_space<semaphore_mem>>)
      %dma_wait3A_1562 = arith.constant 4 : i32
      %dma_wait3A_1563 = arith.constant 2 : i32
      %dma_wait3A_1564 = arith.constant 0 : i32
      %dma_wait3A_1565 = arith.constant 0 : i32
      %dma_wait3A_1566 = tpu.memref_slice %arg6[%dma_wait3A_1563, %dma_wait3A_1564, %dma_wait3A_1565] : memref<4x256x64xf32, #tpu.memory_space<vmem>> -> memref<1x128x64xf32, #tpu.memory_space<vmem>>
      %dma_wait3A_1567 = tpu.memref_squeeze %dma_wait3A_1566 : memref<1x128x64xf32, #tpu.memory_space<vmem>> -> memref<128x64xf32, #tpu.memory_space<vmem>>
      %dma_wait3A_1568 = arith.constant 0 : i32
      %dma_wait3A_1569 = tpu.memref_slice %arg5[%dma_wait3A_1562, %dma_wait3A_1568] : memref<8x128xi32, #tpu.memory_space<vmem>> -> memref<1x128xi32, #tpu.memory_space<vmem>>
      %dma_wait3A_1570 = tpu.memref_squeeze %dma_wait3A_1569 : memref<1x128xi32, #tpu.memory_space<vmem>> -> memref<128xi32, #tpu.memory_space<vmem>>
      %dma_wait3A_1571 = arith.constant 0 : i32
      %dma_wait3A_1572 = arith.constant 0 : i32
      %dma_wait3A_1573 = tpu.memref_slice %arg3[%dma_wait3A_1571, %dma_wait3A_1572] : memref<100000x64xf32, #tpu.memory_space<hbm>> -> memref<100000x64xf32, #tpu.memory_space<hbm>>
      tpu.wait_indirect_dma semaphore(%arg10 : memref<!tpu.dma_semaphore, #tpu.memory_space<semaphore_mem>>) src(%dma_wait3A_1573 : memref<100000x64xf32, #tpu.memory_space<hbm>>) dst(%dma_wait3A_1567 : memref<128x64xf32, #tpu.memory_space<vmem>>)
      %dma_wait3A_1574 = arith.constant 5 : i32
      %dma_wait3A_1575 = arith.constant 2 : i32
      %dma_wait3A_1576 = arith.constant 128 : i32
      %dma_wait3A_1577 = arith.constant 0 : i32
      %dma_wait3A_1578 = tpu.memref_slice %arg6[%dma_wait3A_1575, %dma_wait3A_1576, %dma_wait3A_1577] : memref<4x256x64xf32, #tpu.memory_space<vmem>> -> memref<1x128x64xf32, #tpu.memory_space<vmem>>
      %dma_wait3A_1579 = tpu.memref_squeeze %dma_wait3A_1578 : memref<1x128x64xf32, #tpu.memory_space<vmem>> -> memref<128x64xf32, #tpu.memory_space<vmem>>
      %dma_wait3A_1580 = arith.constant 0 : i32
      %dma_wait3A_1581 = tpu.memref_slice %arg5[%dma_wait3A_1574, %dma_wait3A_1580] : memref<8x128xi32, #tpu.memory_space<vmem>> -> memref<1x128xi32, #tpu.memory_space<vmem>>
      %dma_wait3A_1582 = tpu.memref_squeeze %dma_wait3A_1581 : memref<1x128xi32, #tpu.memory_space<vmem>> -> memref<128xi32, #tpu.memory_space<vmem>>
      %dma_wait3A_1583 = arith.constant 0 : i32
      %dma_wait3A_1584 = arith.constant 0 : i32
      %dma_wait3A_1585 = tpu.memref_slice %arg3[%dma_wait3A_1583, %dma_wait3A_1584] : memref<100000x64xf32, #tpu.memory_space<hbm>> -> memref<100000x64xf32, #tpu.memory_space<hbm>>
      tpu.wait_indirect_dma semaphore(%arg10 : memref<!tpu.dma_semaphore, #tpu.memory_space<semaphore_mem>>) src(%dma_wait3A_1585 : memref<100000x64xf32, #tpu.memory_space<hbm>>) dst(%dma_wait3A_1579 : memref<128x64xf32, #tpu.memory_space<vmem>>)
      %mul3A_1586 = arith.constant 1024 : i32
      %mul3A_1587 = arith.muli %scan3A_82, %mul3A_1586 : i32
      %add3A_1588 = arith.addi %mul3A_2, %mul3A_1587 : i32
      %add3A_1589 = arith.constant 512 : i32
      %add3A_1590 = arith.addi %add3A_1588, %add3A_1589 : i32
      %dma_start3A_1591 = arith.constant 2 : i32
      %dma_start3A_1592 = arith.constant 0 : i32
      %dma_start3A_1593 = arith.constant 0 : i32
      %dma_start3A_1594 = tpu.memref_slice %arg6[%dma_start3A_1591, %dma_start3A_1592, %dma_start3A_1593] : memref<4x256x64xf32, #tpu.memory_space<vmem>> -> memref<1x256x64xf32, #tpu.memory_space<vmem>>
      %dma_start3A_1595 = tpu.memref_squeeze %dma_start3A_1594 : memref<1x256x64xf32, #tpu.memory_space<vmem>> -> memref<256x64xf32, #tpu.memory_space<vmem>>
      %dma_start3A_1596 = arith.constant 0 : i32
      %dma_start3A_1597 = tpu.memref_slice %arg4[%add3A_1590, %dma_start3A_1596] : memref<819200x128xf32, #tpu.memory_space<hbm>> -> memref<256x64xf32, #tpu.memory_space<hbm>>
      %dma_start3A_1598 = arith.constant 0 : i32
      %dma_start3A_1599 = tpu.memref_slice %arg4[%add3A_1590, %dma_start3A_1598] : memref<819200x128xf32, #tpu.memory_space<hbm>> -> memref<256x64xf32, #tpu.memory_space<hbm>>
      %dma_start3A_1600 = arith.constant 0 : i32
      %dma_start3A_1601 = arith.constant 0 : i32
      %dma_start3A_1602 = tpu.memref_slice %arg6[%dma_start3A_1591, %dma_start3A_1600, %dma_start3A_1601] : memref<4x256x64xf32, #tpu.memory_space<vmem>> -> memref<1x256x64xf32, #tpu.memory_space<vmem>>
      %dma_start3A_1603 = tpu.memref_squeeze %dma_start3A_1602 : memref<1x256x64xf32, #tpu.memory_space<vmem>> -> memref<256x64xf32, #tpu.memory_space<vmem>>
      tpu.enqueue_dma source(%dma_start3A_1603 : memref<256x64xf32, #tpu.memory_space<vmem>>) target(%dma_start3A_1599 : memref<256x64xf32, #tpu.memory_space<hbm>>) target_semaphore(%arg14 : memref<!tpu.dma_semaphore, #tpu.memory_space<semaphore_mem>>)
      %dma_wait3A_1604 = arith.constant 6 : i32
      %dma_wait3A_1605 = arith.constant 3 : i32
      %dma_wait3A_1606 = arith.constant 0 : i32
      %dma_wait3A_1607 = arith.constant 0 : i32
      %dma_wait3A_1608 = tpu.memref_slice %arg6[%dma_wait3A_1605, %dma_wait3A_1606, %dma_wait3A_1607] : memref<4x256x64xf32, #tpu.memory_space<vmem>> -> memref<1x128x64xf32, #tpu.memory_space<vmem>>
      %dma_wait3A_1609 = tpu.memref_squeeze %dma_wait3A_1608 : memref<1x128x64xf32, #tpu.memory_space<vmem>> -> memref<128x64xf32, #tpu.memory_space<vmem>>
      %dma_wait3A_1610 = arith.constant 0 : i32
      %dma_wait3A_1611 = tpu.memref_slice %arg5[%dma_wait3A_1604, %dma_wait3A_1610] : memref<8x128xi32, #tpu.memory_space<vmem>> -> memref<1x128xi32, #tpu.memory_space<vmem>>
      %dma_wait3A_1612 = tpu.memref_squeeze %dma_wait3A_1611 : memref<1x128xi32, #tpu.memory_space<vmem>> -> memref<128xi32, #tpu.memory_space<vmem>>
      %dma_wait3A_1613 = arith.constant 0 : i32
      %dma_wait3A_1614 = arith.constant 0 : i32
      %dma_wait3A_1615 = tpu.memref_slice %arg3[%dma_wait3A_1613, %dma_wait3A_1614] : memref<100000x64xf32, #tpu.memory_space<hbm>> -> memref<100000x64xf32, #tpu.memory_space<hbm>>
      tpu.wait_indirect_dma semaphore(%arg11 : memref<!tpu.dma_semaphore, #tpu.memory_space<semaphore_mem>>) src(%dma_wait3A_1615 : memref<100000x64xf32, #tpu.memory_space<hbm>>) dst(%dma_wait3A_1609 : memref<128x64xf32, #tpu.memory_space<vmem>>)
      %dma_wait3A_1616 = arith.constant 7 : i32
      %dma_wait3A_1617 = arith.constant 3 : i32
      %dma_wait3A_1618 = arith.constant 128 : i32
      %dma_wait3A_1619 = arith.constant 0 : i32
      %dma_wait3A_1620 = tpu.memref_slice %arg6[%dma_wait3A_1617, %dma_wait3A_1618, %dma_wait3A_1619] : memref<4x256x64xf32, #tpu.memory_space<vmem>> -> memref<1x128x64xf32, #tpu.memory_space<vmem>>
      %dma_wait3A_1621 = tpu.memref_squeeze %dma_wait3A_1620 : memref<1x128x64xf32, #tpu.memory_space<vmem>> -> memref<128x64xf32, #tpu.memory_space<vmem>>
      %dma_wait3A_1622 = arith.constant 0 : i32
      %dma_wait3A_1623 = tpu.memref_slice %arg5[%dma_wait3A_1616, %dma_wait3A_1622] : memref<8x128xi32, #tpu.memory_space<vmem>> -> memref<1x128xi32, #tpu.memory_space<vmem>>
      %dma_wait3A_1624 = tpu.memref_squeeze %dma_wait3A_1623 : memref<1x128xi32, #tpu.memory_space<vmem>> -> memref<128xi32, #tpu.memory_space<vmem>>
      %dma_wait3A_1625 = arith.constant 0 : i32
      %dma_wait3A_1626 = arith.constant 0 : i32
      %dma_wait3A_1627 = tpu.memref_slice %arg3[%dma_wait3A_1625, %dma_wait3A_1626] : memref<100000x64xf32, #tpu.memory_space<hbm>> -> memref<100000x64xf32, #tpu.memory_space<hbm>>
      tpu.wait_indirect_dma semaphore(%arg11 : memref<!tpu.dma_semaphore, #tpu.memory_space<semaphore_mem>>) src(%dma_wait3A_1627 : memref<100000x64xf32, #tpu.memory_space<hbm>>) dst(%dma_wait3A_1621 : memref<128x64xf32, #tpu.memory_space<vmem>>)
      %lt3A = arith.constant 24 : i32
      %lt3A_1628 = arith.cmpi slt, %scan3A_82, %lt3A : i32
      %convert_element_type3A_1629 = arith.extui %lt3A_1628 : i1 to i32
      %cond3A_1630 = arith.constant 0 : i32
      %cond3A_1631 = arith.cmpi ne, %convert_element_type3A_1629, %cond3A_1630 : i32
      scf.if %cond3A_1631 {
        %add3A_1650 = arith.constant 1 : i32
        %add3A_1651 = arith.addi %scan3A_82, %add3A_1650 : i32
        %mul3A_1652 = arith.constant 4 : i32
        %mul3A_1653 = arith.muli %add3A_1651, %mul3A_1652 : i32
        %mul3A_1654 = arith.constant 2 : i32
        %mul3A_1655 = arith.muli %mul3A_1653, %mul3A_1654 : i32
        %add3A_1656 = arith.addi %mul3A_4, %mul3A_1655 : i32
        %dma_start3A_1657 = arith.constant 0 : i32
        %dma_start3A_1658 = tpu.memref_slice %arg2[%add3A_1656, %dma_start3A_1657] : memref<6400x128xi32, #tpu.memory_space<hbm>> -> memref<8x128xi32, #tpu.memory_space<hbm>>
        %dma_start3A_1659 = arith.constant 0 : i32
        %dma_start3A_1660 = tpu.memref_slice %arg2[%add3A_1656, %dma_start3A_1659] : memref<6400x128xi32, #tpu.memory_space<hbm>> -> memref<8x128xi32, #tpu.memory_space<hbm>>
        tpu.enqueue_dma source(%dma_start3A_1660 : memref<8x128xi32, #tpu.memory_space<hbm>>) target(%arg5 : memref<8x128xi32, #tpu.memory_space<vmem>>) target_semaphore(%arg7 : memref<!tpu.dma_semaphore, #tpu.memory_space<semaphore_mem>>)
      } else {
      }
      %mul3A_1632 = arith.constant 1024 : i32
      %mul3A_1633 = arith.muli %scan3A_82, %mul3A_1632 : i32
      %add3A_1634 = arith.addi %mul3A_2, %mul3A_1633 : i32
      %add3A_1635 = arith.constant 768 : i32
      %add3A_1636 = arith.addi %add3A_1634, %add3A_1635 : i32
      %dma_start3A_1637 = arith.constant 3 : i32
      %dma_start3A_1638 = arith.constant 0 : i32
      %dma_start3A_1639 = arith.constant 0 : i32
      %dma_start3A_1640 = tpu.memref_slice %arg6[%dma_start3A_1637, %dma_start3A_1638, %dma_start3A_1639] : memref<4x256x64xf32, #tpu.memory_space<vmem>> -> memref<1x256x64xf32, #tpu.memory_space<vmem>>
      %dma_start3A_1641 = tpu.memref_squeeze %dma_start3A_1640 : memref<1x256x64xf32, #tpu.memory_space<vmem>> -> memref<256x64xf32, #tpu.memory_space<vmem>>
      %dma_start3A_1642 = arith.constant 0 : i32
      %dma_start3A_1643 = tpu.memref_slice %arg4[%add3A_1636, %dma_start3A_1642] : memref<819200x128xf32, #tpu.memory_space<hbm>> -> memref<256x64xf32, #tpu.memory_space<hbm>>
      %dma_start3A_1644 = arith.constant 0 : i32
      %dma_start3A_1645 = tpu.memref_slice %arg4[%add3A_1636, %dma_start3A_1644] : memref<819200x128xf32, #tpu.memory_space<hbm>> -> memref<256x64xf32, #tpu.memory_space<hbm>>
      %dma_start3A_1646 = arith.constant 0 : i32
      %dma_start3A_1647 = arith.constant 0 : i32
      %dma_start3A_1648 = tpu.memref_slice %arg6[%dma_start3A_1637, %dma_start3A_1646, %dma_start3A_1647] : memref<4x256x64xf32, #tpu.memory_space<vmem>> -> memref<1x256x64xf32, #tpu.memory_space<vmem>>
      %dma_start3A_1649 = tpu.memref_squeeze %dma_start3A_1648 : memref<1x256x64xf32, #tpu.memory_space<vmem>> -> memref<256x64xf32, #tpu.memory_space<vmem>>
      tpu.enqueue_dma source(%dma_start3A_1649 : memref<256x64xf32, #tpu.memory_space<vmem>>) target(%dma_start3A_1645 : memref<256x64xf32, #tpu.memory_space<hbm>>) target_semaphore(%arg15 : memref<!tpu.dma_semaphore, #tpu.memory_space<semaphore_mem>>)
    }
    %scan3A_14 = arith.constant 25 : i32
    %add3A_15 = arith.constant 24576 : i32
    %add3A_16 = arith.addi %mul3A_2, %add3A_15 : i32
    %add3A_17 = arith.constant 0 : i32
    %add3A_18 = arith.addi %add3A_16, %add3A_17 : i32
    %dma_wait3A = arith.constant 0 : i32
    %dma_wait3A_19 = arith.constant 0 : i32
    %dma_wait3A_20 = arith.constant 0 : i32
    %dma_wait3A_21 = tpu.memref_slice %arg6[%dma_wait3A, %dma_wait3A_19, %dma_wait3A_20] : memref<4x256x64xf32, #tpu.memory_space<vmem>> -> memref<1x256x64xf32, #tpu.memory_space<vmem>>
    %dma_wait3A_22 = tpu.memref_squeeze %dma_wait3A_21 : memref<1x256x64xf32, #tpu.memory_space<vmem>> -> memref<256x64xf32, #tpu.memory_space<vmem>>
    %dma_wait3A_23 = arith.constant 0 : i32
    %dma_wait3A_24 = tpu.memref_slice %arg4[%add3A_18, %dma_wait3A_23] : memref<819200x128xf32, #tpu.memory_space<hbm>> -> memref<256x64xf32, #tpu.memory_space<hbm>>
    %dma_wait3A_25 = arith.constant 0 : i32
    %dma_wait3A_26 = tpu.memref_slice %arg4[%add3A_18, %dma_wait3A_25] : memref<819200x128xf32, #tpu.memory_space<hbm>> -> memref<256x64xf32, #tpu.memory_space<hbm>>
    %dma_wait3A_27 = arith.constant 0 : i32
    %dma_wait3A_28 = arith.constant 0 : i32
    %dma_wait3A_29 = tpu.memref_slice %arg6[%dma_wait3A, %dma_wait3A_27, %dma_wait3A_28] : memref<4x256x64xf32, #tpu.memory_space<vmem>> -> memref<1x256x64xf32, #tpu.memory_space<vmem>>
    %dma_wait3A_30 = tpu.memref_squeeze %dma_wait3A_29 : memref<1x256x64xf32, #tpu.memory_space<vmem>> -> memref<256x64xf32, #tpu.memory_space<vmem>>
    tpu.wait_dma2 semaphore(%arg12 : memref<!tpu.dma_semaphore, #tpu.memory_space<semaphore_mem>>) src(%dma_wait3A_30 : memref<256x64xf32, #tpu.memory_space<vmem>>) dst(%dma_wait3A_26 : memref<256x64xf32, #tpu.memory_space<hbm>>)
    %add3A_31 = arith.constant 24576 : i32
    %add3A_32 = arith.addi %mul3A_2, %add3A_31 : i32
    %add3A_33 = arith.constant 256 : i32
    %add3A_34 = arith.addi %add3A_32, %add3A_33 : i32
    %dma_wait3A_35 = arith.constant 1 : i32
    %dma_wait3A_36 = arith.constant 0 : i32
    %dma_wait3A_37 = arith.constant 0 : i32
    %dma_wait3A_38 = tpu.memref_slice %arg6[%dma_wait3A_35, %dma_wait3A_36, %dma_wait3A_37] : memref<4x256x64xf32, #tpu.memory_space<vmem>> -> memref<1x256x64xf32, #tpu.memory_space<vmem>>
    %dma_wait3A_39 = tpu.memref_squeeze %dma_wait3A_38 : memref<1x256x64xf32, #tpu.memory_space<vmem>> -> memref<256x64xf32, #tpu.memory_space<vmem>>
    %dma_wait3A_40 = arith.constant 0 : i32
    %dma_wait3A_41 = tpu.memref_slice %arg4[%add3A_34, %dma_wait3A_40] : memref<819200x128xf32, #tpu.memory_space<hbm>> -> memref<256x64xf32, #tpu.memory_space<hbm>>
    %dma_wait3A_42 = arith.constant 0 : i32
    %dma_wait3A_43 = tpu.memref_slice %arg4[%add3A_34, %dma_wait3A_42] : memref<819200x128xf32, #tpu.memory_space<hbm>> -> memref<256x64xf32, #tpu.memory_space<hbm>>
    %dma_wait3A_44 = arith.constant 0 : i32
    %dma_wait3A_45 = arith.constant 0 : i32
    %dma_wait3A_46 = tpu.memref_slice %arg6[%dma_wait3A_35, %dma_wait3A_44, %dma_wait3A_45] : memref<4x256x64xf32, #tpu.memory_space<vmem>> -> memref<1x256x64xf32, #tpu.memory_space<vmem>>
    %dma_wait3A_47 = tpu.memref_squeeze %dma_wait3A_46 : memref<1x256x64xf32, #tpu.memory_space<vmem>> -> memref<256x64xf32, #tpu.memory_space<vmem>>
    tpu.wait_dma2 semaphore(%arg13 : memref<!tpu.dma_semaphore, #tpu.memory_space<semaphore_mem>>) src(%dma_wait3A_47 : memref<256x64xf32, #tpu.memory_space<vmem>>) dst(%dma_wait3A_43 : memref<256x64xf32, #tpu.memory_space<hbm>>)
    %add3A_48 = arith.constant 24576 : i32
    %add3A_49 = arith.addi %mul3A_2, %add3A_48 : i32
    %add3A_50 = arith.constant 512 : i32
    %add3A_51 = arith.addi %add3A_49, %add3A_50 : i32
    %dma_wait3A_52 = arith.constant 2 : i32
    %dma_wait3A_53 = arith.constant 0 : i32
    %dma_wait3A_54 = arith.constant 0 : i32
    %dma_wait3A_55 = tpu.memref_slice %arg6[%dma_wait3A_52, %dma_wait3A_53, %dma_wait3A_54] : memref<4x256x64xf32, #tpu.memory_space<vmem>> -> memref<1x256x64xf32, #tpu.memory_space<vmem>>
    %dma_wait3A_56 = tpu.memref_squeeze %dma_wait3A_55 : memref<1x256x64xf32, #tpu.memory_space<vmem>> -> memref<256x64xf32, #tpu.memory_space<vmem>>
    %dma_wait3A_57 = arith.constant 0 : i32
    %dma_wait3A_58 = tpu.memref_slice %arg4[%add3A_51, %dma_wait3A_57] : memref<819200x128xf32, #tpu.memory_space<hbm>> -> memref<256x64xf32, #tpu.memory_space<hbm>>
    %dma_wait3A_59 = arith.constant 0 : i32
    %dma_wait3A_60 = tpu.memref_slice %arg4[%add3A_51, %dma_wait3A_59] : memref<819200x128xf32, #tpu.memory_space<hbm>> -> memref<256x64xf32, #tpu.memory_space<hbm>>
    %dma_wait3A_61 = arith.constant 0 : i32
    %dma_wait3A_62 = arith.constant 0 : i32
    %dma_wait3A_63 = tpu.memref_slice %arg6[%dma_wait3A_52, %dma_wait3A_61, %dma_wait3A_62] : memref<4x256x64xf32, #tpu.memory_space<vmem>> -> memref<1x256x64xf32, #tpu.memory_space<vmem>>
    %dma_wait3A_64 = tpu.memref_squeeze %dma_wait3A_63 : memref<1x256x64xf32, #tpu.memory_space<vmem>> -> memref<256x64xf32, #tpu.memory_space<vmem>>
    tpu.wait_dma2 semaphore(%arg14 : memref<!tpu.dma_semaphore, #tpu.memory_space<semaphore_mem>>) src(%dma_wait3A_64 : memref<256x64xf32, #tpu.memory_space<vmem>>) dst(%dma_wait3A_60 : memref<256x64xf32, #tpu.memory_space<hbm>>)
    %add3A_65 = arith.constant 24576 : i32
    %add3A_66 = arith.addi %mul3A_2, %add3A_65 : i32
    %add3A_67 = arith.constant 768 : i32
    %add3A_68 = arith.addi %add3A_66, %add3A_67 : i32
    %dma_wait3A_69 = arith.constant 3 : i32
    %dma_wait3A_70 = arith.constant 0 : i32
    %dma_wait3A_71 = arith.constant 0 : i32
    %dma_wait3A_72 = tpu.memref_slice %arg6[%dma_wait3A_69, %dma_wait3A_70, %dma_wait3A_71] : memref<4x256x64xf32, #tpu.memory_space<vmem>> -> memref<1x256x64xf32, #tpu.memory_space<vmem>>
    %dma_wait3A_73 = tpu.memref_squeeze %dma_wait3A_72 : memref<1x256x64xf32, #tpu.memory_space<vmem>> -> memref<256x64xf32, #tpu.memory_space<vmem>>
    %dma_wait3A_74 = arith.constant 0 : i32
    %dma_wait3A_75 = tpu.memref_slice %arg4[%add3A_68, %dma_wait3A_74] : memref<819200x128xf32, #tpu.memory_space<hbm>> -> memref<256x64xf32, #tpu.memory_space<hbm>>
    %dma_wait3A_76 = arith.constant 0 : i32
    %dma_wait3A_77 = tpu.memref_slice %arg4[%add3A_68, %dma_wait3A_76] : memref<819200x128xf32, #tpu.memory_space<hbm>> -> memref<256x64xf32, #tpu.memory_space<hbm>>
    %dma_wait3A_78 = arith.constant 0 : i32
    %dma_wait3A_79 = arith.constant 0 : i32
    %dma_wait3A_80 = tpu.memref_slice %arg6[%dma_wait3A_69, %dma_wait3A_78, %dma_wait3A_79] : memref<4x256x64xf32, #tpu.memory_space<vmem>> -> memref<1x256x64xf32, #tpu.memory_space<vmem>>
    %dma_wait3A_81 = tpu.memref_squeeze %dma_wait3A_80 : memref<1x256x64xf32, #tpu.memory_space<vmem>> -> memref<256x64xf32, #tpu.memory_space<vmem>>
    tpu.wait_dma2 semaphore(%arg15 : memref<!tpu.dma_semaphore, #tpu.memory_space<semaphore_mem>>) src(%dma_wait3A_81 : memref<256x64xf32, #tpu.memory_space<vmem>>) dst(%dma_wait3A_77 : memref<256x64xf32, #tpu.memory_space<hbm>>)
    return
  }
}

</mosaic_0001>

<sc_bundles>
// kernel: kernel.3.cloned.1.call-start
scs
__scs_entry_jumppad:
0x0: {  	(pc) =	sbr.rel $0x88, $3  }
0x1: {  	(tag) =	ssettag $0x0;
	lr =	simm.s32 $0x1  }
0x2: {  	[smem:$0x3F9F] =	sst lr;
	_ =	strace $0xD0000000  }
0x3: {  	_ = 	snop  }
0x4: {  	_ = 	snop  }
0x5: {  	_ = 	snop  }
0x6: {  	_ = 	snop  }
0x7: {  	_ = 	snop  }
__scs_overlays_trampoline_lowered:
0x8: {  	[smem:$0x3FAE] =	sst s0  }
0x9: {  	[smem:$0x3FAF] =	sst s1  }
0xa: {  	[smem:$0x3FB0] =	sst s2  }
0xb: {  	[smem:$0x3FB1] =	sst s3  }
0xc: {  	[smem:$0x3FB2] =	sst s4  }
0xd: {  	[smem:$0x3FB3] =	sst s5  }
0xe: {  	[smem:$0x3FB4] =	sst s6  }
0xf: {  	[smem:$0x3FB5] =	sst s7  }
0x10: {  	[smem:$0x3FB6] =	sst s8  }
0x11: {  	[smem:$0x3FB7] =	sst s9;
	s0 =	simm.s32 @!p0 $0x0  }
0x12: {  	s1 =	sld [smem:$0x3F9D];
	s0 =	simm.s32 @p0 $0x1  }
0x13: {  	[smem:$0x3FB8] =	sst s0;
	s0 =	simm.s32 @!p1 $0x0  }
0x14: {  	s2 =	sld [smem:$0x3F9C];
	s0 =	simm.s32 @p1 $0x1  }
0x15: {  	[smem:$0x3FB9] =	sst s0;
	s0 =	simm.s32 @!p2 $0x0  }
0x16: {  	s3 =	sld [smem:$0x3FDB];
	s0 =	simm.s32 @p2 $0x1  }
0x17: {  	s4 =	simm.s32 $0x1BF5;
	[smem:$0x3FBB] =	sst s0  }
0x18: {  	s0 =	sld [smem:$0x3F9E];
	_ =	swait.ge [sflag:s4], $0x0  }
0x19: {  	s7 =	sld [smem:$0x3F9F]  }
0x1a: {  	s8 =	sadd.s32 $0xFFFFE003, lr  }
0x1b: {  	s9 =	sadd.s32 $0xFFFFFEF7, lr;
	s5 =	simm.s32 $0xFFFFFFFF;
	p2 =	slt.u32 s8, $0xFFFFF086  }
0x1c: {  	p1 =	slt.u32 s9, $0xF7A;
	s5 =	simm.s32 @!p2 $0x0  }
0x1d: {  	s5 =	simm.s32 @p1 $0x1;
	p0 =	seq.s32 s7, s2  }
0x1e: {  	s7 =	smul.u32 @!p0 $0xF7A, s2;
	p2 =	seq.s32 @!p0 s5, $0x0  }
0x1f: {  	s9 =	smul.u32 $0xF7A, s1;
	s8 =	simm.s32 @!p0 $0x1BF5;
	p2 =	por !p2, p0  }
0x20: {  	[sflag:s8] =	ssyncset.s32 @!p0 $0xFFFFF086;
	s6 =	sadd.s32 @!p0 s3, s7;
	s7 =	simm.s32 @!p0 $0x108  }
0x21: {  	s3 =	sadd.s32 s3, s9;
	s6 =	sadd.s32 @!p0 $0x88, s6;
	s7 =	simm.s32 @p2 $0x1082  }
0x22: {  	[simem:s7], [sflag:s8] =	dma.local @!p0 [hbm:s6], $0xF7A  }
0x23: {  	s9 =	sor.u32 $0xD0000000, s2;
	s6 =	simm.s32 $0x108;
	_ =	swait.ge @!p0 [sflag:s8], $0x0  }
0x24: {  	s3 =	sadd.s32 $0x88, s3;
	s6 =	simm.s32 @!p1 $0x1082;
	[sflag:s4] =	ssyncset.s32 $0xFFFFF086  }
0x25: {  	[simem:s6], [sflag:s4] =	dma.local [hbm:s3], $0xF7A  }
0x26: {  	[smem:$0x3F9F] =	sst s1;
	(tag) =	ssettag s2;
	_ =	strace s9  }
0x27: {  	s1 =	sld [smem:$0x3FAF]  }
0x28: {  	s2 =	sld [smem:$0x3FB0]  }
0x29: {  	s4 =	sld [smem:$0x3FB2]  }
0x2a: {  	p0 =	seq.s32 s5, $0x0;
	s5 =	sld [smem:$0x3FB3]  }
0x2b: {  	s6 =	sld [smem:$0x3FB4]  }
0x2c: {  	s7 =	sld [smem:$0x3FB5]  }
0x2d: {  	s3 =	simm.s32 $0x108;
	s8 =	sld [smem:$0x3FB6]  }
0x2e: {  	s3 =	simm.s32 @!p0 $0x1082;
	s9 =	sld [smem:$0x3FB7]  }
0x2f: {  	lr =	sadd.s32 s0, s3;
	s0 =	sld [smem:$0x3FAE]  }
0x30: {  	s3 =	sld [smem:$0x3FB1]  }
0x31: {  	[smem:$0x3FBA] =	sst s10  }
0x32: {  	s10 =	sld [smem:$0x3FB8];
	_ =	sdelay $0x3  }
0x33: {  	p0 =	seq.s32 s10, $0x1;
	s10 =	sld [smem:$0x3FBA];
	_ =	sdelay $0x3  }
0x34: {  	[smem:$0x3FBA] =	sst s10  }
0x35: {  	s10 =	sld [smem:$0x3FB9];
	_ =	sdelay $0x3  }
0x36: {  	p1 =	seq.s32 s10, $0x1;
	s10 =	sld [smem:$0x3FBA];
	_ =	sdelay $0x3  }
0x37: {  	[smem:$0x3FBA] =	sst s10  }
0x38: {  	s10 =	sld [smem:$0x3FBB]  }
0x39: {  	_ = 	snop;
	(pc) =	sbr.ind lr, $3  }
0x3a: {  	_ = 	snop  }
0x3b: {  	_ = 	snop  }
0x3c: {  	p2 =	seq.s32 s10, $0x1;
	s10 =	sld [smem:$0x3FBA]  }
0x3d: {  	_ =	shalt  }
0x3e: {  	_ =	shalt  }
0x3f: {  	_ =	shalt  }
0x40: {  	_ =	shalt  }
0x41: {  	_ =	shalt  }
0x42: {  	_ =	shalt  }
0x43: {  	_ =	shalt  }
0x44: {  	_ =	shalt  }
0x45: {  	_ =	shalt  }
0x46: {  	_ =	shalt  }
0x47: {  	_ =	shalt  }
0x48: {  	_ =	shalt  }
0x49: {  	_ =	shalt  }
0x4a: {  	_ =	shalt  }
0x4b: {  	_ =	shalt  }
0x4c: {  	_ =	shalt  }
0x4d: {  	_ =	shalt  }
0x4e: {  	_ =	shalt  }
0x4f: {  	_ =	shalt  }
0x50: {  	_ =	shalt  }
0x51: {  	_ =	shalt  }
0x52: {  	_ =	shalt  }
0x53: {  	_ =	shalt  }
0x54: {  	_ =	shalt  }
0x55: {  	_ =	shalt  }
0x56: {  	_ =	shalt  }
0x57: {  	_ =	shalt  }
0x58: {  	_ =	shalt  }
0x59: {  	_ =	shalt  }
0x5a: {  	_ =	shalt  }
0x5b: {  	_ =	shalt  }
0x5c: {  	_ =	shalt  }
0x5d: {  	_ =	shalt  }
0x5e: {  	_ =	shalt  }
0x5f: {  	_ =	shalt  }
0x60: {  	_ =	shalt  }
0x61: {  	_ =	shalt  }
0x62: {  	_ =	shalt  }
0x63: {  	_ =	shalt  }
0x64: {  	_ =	shalt  }
0x65: {  	_ =	shalt  }
0x66: {  	_ =	shalt  }
0x67: {  	_ =	shalt  }
0x68: {  	_ =	shalt  }
0x69: {  	_ =	shalt  }
0x6a: {  	_ =	shalt  }
0x6b: {  	_ =	shalt  }
0x6c: {  	_ =	shalt  }
0x6d: {  	_ =	shalt  }
0x6e: {  	_ =	shalt  }
0x6f: {  	_ =	shalt  }
0x70: {  	_ =	shalt  }
0x71: {  	_ =	shalt  }
0x72: {  	_ =	shalt  }
0x73: {  	_ =	shalt  }
0x74: {  	_ =	shalt  }
0x75: {  	_ =	shalt  }
0x76: {  	_ =	shalt  }
0x77: {  	_ =	shalt  }
0x78: {  	_ =	shalt  }
0x79: {  	_ =	shalt  }
0x7a: {  	_ =	shalt  }
0x7b: {  	_ =	shalt  }
0x7c: {  	_ =	shalt  }
0x7d: {  	_ =	shalt  }
0x7e: {  	_ =	shalt  }
0x7f: {  	_ =	shalt  }
0x80: {  	_ =	shalt  }
0x81: {  	_ =	shalt  }
0x82: {  	_ =	shalt  }
0x83: {  	_ =	shalt  }
0x84: {  	_ =	shalt  }
0x85: {  	_ =	shalt  }
0x86: {  	_ =	shalt  }
0x87: {  	_ =	shalt  }
.Lfunc_end0:
.L_simem_size_0:
called_computation.1_lowered:
.L_overlay_start_0:
0x88: {  	s2 =	sld [smem:$0x3FD9]  }
0x89: {  	s3 =	sld [smem:$0x3FFE];
	_ =	sdelay $0x1  }
0x8a: {  	s1 =	srdreg.scid  }
0x8b: {  	s0 =	sand.u32 $0x1, s1  }
0x8c: {  	s16 =	sshll.u32 s0, $0xA;
	s2 =	sadd.s32 s3, s2  }
0x8d: {  	s2 =	sadd.s32 s2, s16  }
0x8e: {  	[smem:$0x3FC6] =	sst s2  }
0x8f: {  	_ = 	snop  }
0x90: {  	(tm) =	ssettm $0x1  }
0x91: {  	s17 =	sld [smem:$0x3FFB];
	_ =	sdelay $0x3  }
0x92: {  	_ =	strace s17  }
0x93: {  	s2 =	sld [smem:$0x3FFC];
	_ =	sdelay $0x3  }
0x94: {  	_ =	strace s2  }
0x95: {  	s2 =	sld [smem:$0x3FFD];
	_ =	sdelay $0x3  }
0x96: {  	_ =	strace s2  }
0x97: {  	_ =	strace $0x8FFFFFFF  }
0x98: {  	s18 =	sld [smem:$0x3FDB];
	_ =	sdelay $0x1  }
0x99: {  	s19 =	simm.s32 $_scs_section_size  }
0x9a: {  	s4 =	simm.s32 $_size__tile_overlayer_lowered;
	s5 =	simm.s32 $_tile_overlayer_lowered  }
0x9b: {  	s22 =	simm.s32 $0x1BFF;
	s21 =	sshll.u32 s5, $0x1;
	s2 =	sadd.s32 s19, s18  }
0x9c: {  	s6 =	simm.s32 $0x0;
	s20 =	sshll.u32 s4, $0x1;
	s4 =	sadd.s32 s21, s2  }
0x9d: {  	[timem:s6], [sflag:s22] =	dma.local [hbm:s4], s20  }
0x9e: {  	_ =	swait.ge [sflag:s22], s20  }
0x9f: {  	s3 =	ssub.s32 $0x0, s20;
	[sflag:s22] =	ssyncset.done $0x0  }
0xa0: {  	[sflag:s22] =	ssyncadd.s32 s3;
	_ =	sdelay $0x1  }
0xa1: {  	s23 =	simm.s32 $0x1B8B  }
0xa2: {  	_ =	swait.ge [sflag:s23], $0x1  }
0xa3: {  	[sflag:s23] =	ssyncset.done $0x0  }
0xa4: {  	s25 =	simm.s32 $0x1B8E;
	s24 =	sld [smem:$0x3FFE];
	[sflag:s23] =	ssyncadd.s32 $0xFFFFFFFF  }
0xa5: {  	s26 =	simm.s32 $execute0_lowered;
	[smem:$0x3FD2] =	sst s25  }
0xa6: {  	s4 =	sshll.u32 s26, $0x1;
	_ =	strace $0x80000046;
	[dreg:$0x1] =	wrdreg $0xFFFFFFFF  }
0xa7: {  	s28 =	simm.s32 $_size_execute0_lowered;
	s2 =	sadd.s32 s2, s4;
	[dreg:$0x0] =	wrdreg $0x0  }
0xa8: {  	s4 =	sshll.u32 s28, $0x1;
	[dreg:$0x2] =	wrdreg s2  }
0xa9: {  	[dreg:$0x3] =	wrdreg s4  }
0xaa: {  	[dreg:$0x4] =	wrdreg $0xC0  }
0xab: {  	_ =	task [dreg:s6], $0x5FFFF  }
0xac: {  	[dreg:$0x1] =	wrdreg $0xFFFFFFFF  }
0xad: {  	[dreg:$0x0] =	wrdreg $0x60  }
0xae: {  	[dreg:$0x2] =	wrdreg s24  }
0xaf: {  	[dreg:$0x3] =	wrdreg $0x9  }
0xb0: {  	_ =	task.clear_ibuf [dreg:s6], $0x4FFFF;
	_ =	strace $0x90000046  }
0xb1: {  	s29 =	simm.s32 $0x9;
	_ =	strace $0x80000048  }
0xb2: {  	_ =	swait.ge [sflag:s29], $0x1  }
0xb3: {  	[sflag:s29] =	ssyncadd.s32 $0xFFFFFFFF  }
0xb4: {  	_ =	strace $0x90000048  }
0xb5: {  	_ =	sfence  }
0xb6: {  	s30 =	sld [smem:$0x0];
	_ =	sdelay $0x2  }
0xb7: {  	s31 =	sshll.u32 s1, $0xD;
	s1 =	sshrl.u32 s1, $0x2  }
0xb8: {  	s3 =	sand.u32 $0x4000, s31;
	s1 =	sadd.s32 s1, s30  }
0xb9: {  	s0 =	sor.u32 s3, s0;
	s1 =	sshll.u32 s1, $0x11  }
0xba: {  	s0 =	sor.u32 s1, s0  }
0xbb: {  	s0 =	sadd.s32 $0x8F2B, s0  }
0xbc: {  	[sflag:s0] =	ssyncadd.remote.s32 $0x1  }
0xbd: {  	_ =	sfence.sel $0xFFFF  }
0xbe: {  	[dreg:$0x0] =	wrdreg $0xFFFFFFFF;
	(pc) =	sbr.abs _section_cstart, $3  }
0xbf: {  	[dreg:$0x1] =	wrdreg $0xFFFFFFFF  }
0xc0: {  	_ =	task.clear_ibuf [dreg:s6], $0x2FFFF;
	_ =	strace $0x9FFFFFFF  }
0xc1: {  	(tm) =	ssettm $0x7FFFFFFF  }
tec
execute0_lowered:
.L_overlay_start_1:
0x0: {  	(tag) =	ssettag $0x1  }
0x1: {  	s4 =	rddreg [dreg:$0x0]  }
0x2: {  	s0 =	rddreg [dreg:$0x1];
	s1 =	stileid.u32  }
0x3: {  	s3 =	srdreg.scid;
	s2 =	simm.s32 $0x0;
	s26 =	simm.s32 $0x300  }
0x4: {  	s28 =	simm.s32 $0x380;
	s29 =	simm.s32 $0xE400;
	s30 =	simm.s32 $0x400  }
0x5: {  	s31 =	simm.s32 $0x4400;
	s14 =	simm.s32 $0x8400;
	s13 =	simm.s32 $0x4  }
0x6: {  	s15 =	simm.s32 $0x6;
	s16 =	simm.s32 $0x7;
	s17 =	simm.s32 $0x8  }
0x7: {  	s18 =	simm.s32 $0x9;
	s19 =	simm.s32 $0x0;
	[smem:$0x7FF] =	sst s2  }
0x8: {  	s5 =	sand.u32 $0x1, s3;
	_ =	strace $0x80000047;
	[dreg:$0x2] =	wrdreg s26  }
0x9: {  	s22 =	sshll.u32 s1, $0x1;
	s6 =	smul.u32 $0xC8000, s1;
	[dreg:$0x4] =	wrdreg s28  }
0xa: {  	s8 =	sadd.s32 $0x800, s4;
	s10 =	smul.u32 $0x1900, s1;
	[dreg:$0x3] =	wrdreg s29  }
0xb: {  	s3 =	sor.u32 s5, s22;
	s12 =	smul.u32 $0x64000, s5;
	[dreg:$0x6] =	wrdreg s30  }
0xc: {  	s9 =	ssub.s32 $0x2, s5;
	s23 =	smul.u32 $0xC80, s5;
	[dreg:$0x7] =	wrdreg s31  }
0xd: {  	[dreg:$0x8] =	wrdreg s14;
	s14 =	simm.s32 $0x5;
	s7 =	smul.u32 $0xC80, s3  }
0xe: {  	s3 =	sadd.s32 $0x19800, s4;
	s11 =	sshrl.u32 s9, $0x1;
	s6 =	sadd.s32 s6, s4  }
0xf: {  	s24 =	sadd.s32 s10, s8;
	s10 =	simm.s32 $0x2;
	s9 =	ssub.s32 s9, s11  }
0x10: {  	s6 =	sadd.s32 s12, s6;
	s11 =	simm.s32 $0x40;
	s12 =	simm.s32 $0x3  }
0x11: {  	s4 =	sadd.s32 s8, s7;
	s5 =	smax.u32 s9, $0x1;
	s7 =	sadd.s32 s23, s24  }
0x12: {  	s25 =	sadd.s32 $0xDCE00, s6;
	s8 =	simm.s32 $0x80;
	s9 =	simm.s32 $0xC400  }
0x13: {  	s6 =	sadd.s32 $0x80, s7;
	[dreg:$0x5] =	wrdreg s25;
	s7 =	simm.s32 $0x1  }
.LBB2_1:
0x14: {  	[tilespmem:s2], [sflag:$0x1] =	stream.linear.gather [hbm4b:s4+s2], $0x400, $0x38;
	[tilespmem:$0x10400] =	vst v63  }
0x15: {  	s20 =	simm.s32 $0x0;
	s21 =	smov.u32 s6  }
.LBB2_2:
0x16: {  	_ =	swait.ge [sflag:s7], $0x400  }
0x17: {  	[sflag:s7] =	ssyncset.done $0x0  }
0x18: {  	[sflag:s7] =	ssyncadd.s32 $0xFFFFFC00  }
0x19: {  	v0 =	vld [tilespmem:$0x0]  }
0x1a: {  	v1 =	vld [tilespmem:$0x10]  }
0x1b: {  	v2 =	vld [tilespmem:$0x20]  }
0x1c: {  	v3 =	vld [tilespmem:$0x30]  }
0x1d: {  	v4 =	vld [tilespmem:$0x40]  }
0x1e: {  	v5 =	vld [tilespmem:$0x50];
	vm0 =	veq.s32 v0, $0x0;
	v0 =	vadd.s32 $0xFFFFFFFF, v0  }
0x1f: {  	v6 =	vld [tilespmem:$0x60];
	vm13 =	veq.s32 v1, $0x0;
	v1 =	vadd.s32 $0xFFFFFFFF, v1;
	v0 =	vsel vm0, $0x1869F, v0  }
0x20: {  	v51 =	vld [tilespmem:$0x70];
	vm14 =	veq.s32 v2, $0x0;
	v50 =	vadd.s32 $0xFFFFFFFF, v2;
	v49 =	vsel vm13, $0x1869F, v1;
	[tilespmem:$0x0] =	vst v0  }
0x21: {  	v54 =	vld [tilespmem:$0x80];
	vm15 =	veq.s32 v3, $0x0;
	v53 =	vadd.s32 $0xFFFFFFFF, v3;
	v52 =	vsel vm14, $0x1869F, v50;
	[tilespmem:$0x10] =	vst v49  }
0x22: {  	v57 =	vld [tilespmem:$0x90];
	vm4 =	veq.s32 v4, $0x0;
	v56 =	vadd.s32 $0xFFFFFFFF, v4;
	v55 =	vsel vm15, $0x1869F, v53;
	[tilespmem:$0x20] =	vst v52  }
0x23: {  	v60 =	vld [tilespmem:$0xA0];
	vm5 =	veq.s32 v5, $0x0;
	v59 =	vadd.s32 $0xFFFFFFFF, v5;
	v58 =	vsel vm4, $0x1869F, v56;
	[tilespmem:$0x30] =	vst v55  }
0x24: {  	v63 =	vld [tilespmem:$0xB0];
	vm6 =	veq.s32 v6, $0x0;
	v62 =	vadd.s32 $0xFFFFFFFF, v6;
	v61 =	vsel vm5, $0x1869F, v59;
	[tilespmem:$0x40] =	vst v58  }
0x25: {  	v11 =	vld [tilespmem:$0xC0];
	vm7 =	veq.s32 v51, $0x0;
	v10 =	vadd.s32 $0xFFFFFFFF, v51;
	v9 =	vsel vm6, $0x1869F, v62;
	[tilespmem:$0x50] =	vst v61  }
0x26: {  	v14 =	vld [tilespmem:$0xD0];
	vm8 =	veq.s32 v54, $0x0;
	v13 =	vadd.s32 $0xFFFFFFFF, v54;
	v12 =	vsel vm7, $0x1869F, v10;
	[tilespmem:$0x60] =	vst v9  }
0x27: {  	v17 =	vld [tilespmem:$0xE0];
	vm9 =	veq.s32 v57, $0x0;
	v16 =	vadd.s32 $0xFFFFFFFF, v57;
	v15 =	vsel vm8, $0x1869F, v13;
	[tilespmem:$0x70] =	vst v12  }
0x28: {  	v20 =	vld [tilespmem:$0xF0];
	vm10 =	veq.s32 v60, $0x0;
	v19 =	vadd.s32 $0xFFFFFFFF, v60;
	v18 =	vsel vm9, $0x1869F, v16;
	[tilespmem:$0x80] =	vst v15  }
0x29: {  	v23 =	vld [tilespmem:$0x100];
	vm11 =	veq.s32 v63, $0x0;
	v22 =	vadd.s32 $0xFFFFFFFF, v63;
	v21 =	vsel vm10, $0x1869F, v19;
	[tilespmem:$0x90] =	vst v18  }
0x2a: {  	v26 =	vld [tilespmem:$0x110];
	vm12 =	veq.s32 v11, $0x0;
	v25 =	vadd.s32 $0xFFFFFFFF, v11;
	v24 =	vsel vm11, $0x1869F, v22;
	[tilespmem:$0xA0] =	vst v21  }
0x2b: {  	v29 =	vld [tilespmem:$0x120];
	v28 =	vadd.s32 $0xFFFFFFFF, v14;
	v27 =	vsel vm12, $0x1869F, v25;
	vm13 =	veq.s32 v14, $0x0;
	[tilespmem:$0xB0] =	vst v24  }
0x2c: {  	v32 =	vld [tilespmem:$0x130];
	v31 =	vadd.s32 $0xFFFFFFFF, v17;
	vm14 =	veq.s32 v17, $0x0;
	[tilespmem:$0xC0] =	vst v27;
	v30 =	vsel vm13, $0x1869F, v28  }
0x2d: {  	v35 =	vld [tilespmem:$0x140];
	v34 =	vadd.s32 $0xFFFFFFFF, v20;
	vm15 =	veq.s32 v20, $0x0;
	v33 =	vsel vm14, $0x1869F, v31;
	[tilespmem:$0xD0] =	vst v30  }
0x2e: {  	v38 =	vld [tilespmem:$0x150];
	v37 =	vadd.s32 $0xFFFFFFFF, v23;
	vm4 =	veq.s32 v23, $0x0;
	v36 =	vsel vm15, $0x1869F, v34;
	[tilespmem:$0xE0] =	vst v33  }
0x2f: {  	v41 =	vld [tilespmem:$0x160];
	v40 =	vadd.s32 $0xFFFFFFFF, v26;
	vm5 =	veq.s32 v26, $0x0;
	v39 =	vsel vm4, $0x1869F, v37;
	[tilespmem:$0xF0] =	vst v36  }
0x30: {  	v44 =	vld [tilespmem:$0x170];
	v43 =	vadd.s32 $0xFFFFFFFF, v29;
	vm6 =	veq.s32 v29, $0x0;
	v42 =	vsel vm5, $0x1869F, v40;
	[tilespmem:$0x100] =	vst v39  }
0x31: {  	v47 =	vld [tilespmem:$0x180];
	v46 =	vadd.s32 $0xFFFFFFFF, v32;
	vm7 =	veq.s32 v32, $0x0;
	v45 =	vsel vm6, $0x1869F, v43;
	[tilespmem:$0x110] =	vst v42  }
0x32: {  	vm8 =	veq.s32 v35, $0x0;
	v50 =	vld [tilespmem:$0x190];
	v48 =	vsel vm7, $0x1869F, v46;
	v49 =	vadd.s32 $0xFFFFFFFF, v35;
	[tilespmem:$0x120] =	vst v45  }
0x33: {  	vm9 =	veq.s32 v38, $0x0;
	v53 =	vld [tilespmem:$0x1A0];
	v52 =	vadd.s32 $0xFFFFFFFF, v38;
	[tilespmem:$0x130] =	vst v48;
	v51 =	vsel vm8, $0x1869F, v49  }
0x34: {  	vm10 =	veq.s32 v41, $0x0;
	v56 =	vld [tilespmem:$0x1B0];
	v55 =	vadd.s32 $0xFFFFFFFF, v41;
	v54 =	vsel vm9, $0x1869F, v52;
	[tilespmem:$0x140] =	vst v51  }
0x35: {  	vm11 =	veq.s32 v44, $0x0;
	v59 =	vld [tilespmem:$0x1C0];
	v58 =	vadd.s32 $0xFFFFFFFF, v44;
	v57 =	vsel vm10, $0x1869F, v55;
	[tilespmem:$0x150] =	vst v54  }
0x36: {  	vm12 =	veq.s32 v47, $0x0;
	v62 =	vld [tilespmem:$0x1D0];
	v61 =	vadd.s32 $0xFFFFFFFF, v47;
	v60 =	vsel vm11, $0x1869F, v58;
	[tilespmem:$0x160] =	vst v57  }
0x37: {  	v9 =	vld [tilespmem:$0x1E0];
	v63 =	vsel vm12, $0x1869F, v61;
	[tilespmem:$0x170] =	vst v60;
	vm13 =	veq.s32 v50, $0x0;
	v8 =	vadd.s32 $0xFFFFFFFF, v50  }
0x38: {  	v12 =	vld [tilespmem:$0x1F0];
	[tilespmem:$0x180] =	vst v63;
	vm14 =	veq.s32 v53, $0x0;
	v11 =	vadd.s32 $0xFFFFFFFF, v53;
	v10 =	vsel vm13, $0x1869F, v8  }
0x39: {  	v15 =	vld [tilespmem:$0x200];
	vm15 =	veq.s32 v56, $0x0;
	v14 =	vadd.s32 $0xFFFFFFFF, v56;
	v13 =	vsel vm14, $0x1869F, v11;
	[tilespmem:$0x190] =	vst v10  }
0x3a: {  	v18 =	vld [tilespmem:$0x210];
	vm4 =	veq.s32 v59, $0x0;
	v17 =	vadd.s32 $0xFFFFFFFF, v59;
	v16 =	vsel vm15, $0x1869F, v14;
	[tilespmem:$0x1A0] =	vst v13  }
0x3b: {  	v21 =	vld [tilespmem:$0x220];
	vm5 =	veq.s32 v62, $0x0;
	v20 =	vadd.s32 $0xFFFFFFFF, v62;
	v19 =	vsel vm4, $0x1869F, v17;
	[tilespmem:$0x1B0] =	vst v16  }
0x3c: {  	v24 =	vld [tilespmem:$0x230];
	v22 =	vsel vm5, $0x1869F, v20;
	vm6 =	veq.s32 v9, $0x0;
	v23 =	vadd.s32 $0xFFFFFFFF, v9;
	[tilespmem:$0x1C0] =	vst v19  }
0x3d: {  	v27 =	vld [tilespmem:$0x240];
	vm7 =	veq.s32 v12, $0x0;
	v26 =	vadd.s32 $0xFFFFFFFF, v12;
	[tilespmem:$0x1D0] =	vst v22;
	v25 =	vsel vm6, $0x1869F, v23  }
0x3e: {  	v30 =	vld [tilespmem:$0x250];
	vm8 =	veq.s32 v15, $0x0;
	v29 =	vadd.s32 $0xFFFFFFFF, v15;
	v28 =	vsel vm7, $0x1869F, v26;
	[tilespmem:$0x1E0] =	vst v25  }
0x3f: {  	v33 =	vld [tilespmem:$0x260];
	vm9 =	veq.s32 v18, $0x0;
	v32 =	vadd.s32 $0xFFFFFFFF, v18;
	v31 =	vsel vm8, $0x1869F, v29;
	[tilespmem:$0x1F0] =	vst v28  }
0x40: {  	v36 =	vld [tilespmem:$0x270];
	vm10 =	veq.s32 v21, $0x0;
	v35 =	vadd.s32 $0xFFFFFFFF, v21;
	v34 =	vsel vm9, $0x1869F, v32;
	[tilespmem:$0x200] =	vst v31  }
0x41: {  	v39 =	vld [tilespmem:$0x280];
	vm11 =	veq.s32 v24, $0x0;
	v38 =	vadd.s32 $0xFFFFFFFF, v24;
	v37 =	vsel vm10, $0x1869F, v35;
	[tilespmem:$0x210] =	vst v34  }
0x42: {  	v42 =	vld [tilespmem:$0x290];
	vm12 =	veq.s32 v27, $0x0;
	v41 =	vadd.s32 $0xFFFFFFFF, v27;
	v40 =	vsel vm11, $0x1869F, v38;
	[tilespmem:$0x220] =	vst v37  }
0x43: {  	v45 =	vld [tilespmem:$0x2A0];
	v43 =	vsel vm12, $0x1869F, v41;
	vm13 =	veq.s32 v30, $0x0;
	v44 =	vadd.s32 $0xFFFFFFFF, v30;
	[tilespmem:$0x230] =	vst v40  }
0x44: {  	v48 =	vld [tilespmem:$0x2B0];
	vm14 =	veq.s32 v33, $0x0;
	v47 =	vadd.s32 $0xFFFFFFFF, v33;
	[tilespmem:$0x240] =	vst v43;
	v46 =	vsel vm13, $0x1869F, v44  }
0x45: {  	v51 =	vld [tilespmem:$0x2C0];
	vm15 =	veq.s32 v36, $0x0;
	v50 =	vadd.s32 $0xFFFFFFFF, v36;
	v49 =	vsel vm14, $0x1869F, v47;
	[tilespmem:$0x250] =	vst v46  }
0x46: {  	v54 =	vld [tilespmem:$0x2D0];
	vm4 =	veq.s32 v39, $0x0;
	v53 =	vadd.s32 $0xFFFFFFFF, v39;
	v52 =	vsel vm15, $0x1869F, v50;
	[tilespmem:$0x260] =	vst v49  }
0x47: {  	v57 =	vld [tilespmem:$0x2E0];
	vm5 =	veq.s32 v42, $0x0;
	v56 =	vadd.s32 $0xFFFFFFFF, v42;
	v55 =	vsel vm4, $0x1869F, v53;
	[tilespmem:$0x270] =	vst v52  }
0x48: {  	v60 =	vld [tilespmem:$0x2F0];
	vm6 =	veq.s32 v45, $0x0;
	v59 =	vadd.s32 $0xFFFFFFFF, v45;
	v58 =	vsel vm5, $0x1869F, v56;
	[tilespmem:$0x280] =	vst v55  }
0x49: {  	v63 =	vld [tilespmem:$0x300];
	vm7 =	veq.s32 v48, $0x0;
	v62 =	vadd.s32 $0xFFFFFFFF, v48;
	v61 =	vsel vm6, $0x1869F, v59;
	[tilespmem:$0x290] =	vst v58  }
0x4a: {  	v10 =	vld [tilespmem:$0x310];
	v8 =	vsel vm7, $0x1869F, v62;
	vm8 =	veq.s32 v51, $0x0;
	v9 =	vadd.s32 $0xFFFFFFFF, v51;
	[tilespmem:$0x2A0] =	vst v61  }
0x4b: {  	v13 =	vld [tilespmem:$0x320];
	vm9 =	veq.s32 v54, $0x0;
	v12 =	vadd.s32 $0xFFFFFFFF, v54;
	[tilespmem:$0x2B0] =	vst v8;
	v11 =	vsel vm8, $0x1869F, v9  }
0x4c: {  	v16 =	vld [tilespmem:$0x330];
	vm10 =	veq.s32 v57, $0x0;
	v15 =	vadd.s32 $0xFFFFFFFF, v57;
	v14 =	vsel vm9, $0x1869F, v12;
	[tilespmem:$0x2C0] =	vst v11  }
0x4d: {  	v19 =	vld [tilespmem:$0x340];
	vm11 =	veq.s32 v60, $0x0;
	v18 =	vadd.s32 $0xFFFFFFFF, v60;
	v17 =	vsel vm10, $0x1869F, v15;
	[tilespmem:$0x2D0] =	vst v14  }
0x4e: {  	v22 =	vld [tilespmem:$0x350];
	vm12 =	veq.s32 v63, $0x0;
	v21 =	vadd.s32 $0xFFFFFFFF, v63;
	v20 =	vsel vm11, $0x1869F, v18;
	[tilespmem:$0x2E0] =	vst v17  }
0x4f: {  	v25 =	vld [tilespmem:$0x360];
	v23 =	vsel vm12, $0x1869F, v21;
	[tilespmem:$0x2F0] =	vst v20;
	vm13 =	veq.s32 v10, $0x0;
	v24 =	vadd.s32 $0xFFFFFFFF, v10  }
0x50: {  	v28 =	vld [tilespmem:$0x370];
	[tilespmem:$0x300] =	vst v23;
	vm14 =	veq.s32 v13, $0x0;
	v27 =	vadd.s32 $0xFFFFFFFF, v13;
	v26 =	vsel vm13, $0x1869F, v24  }
0x51: {  	v31 =	vld [tilespmem:$0x380];
	vm15 =	veq.s32 v16, $0x0;
	v30 =	vadd.s32 $0xFFFFFFFF, v16;
	v29 =	vsel vm14, $0x1869F, v27;
	[tilespmem:$0x310] =	vst v26  }
0x52: {  	v34 =	vld [tilespmem:$0x390];
	vm4 =	veq.s32 v19, $0x0;
	v33 =	vadd.s32 $0xFFFFFFFF, v19;
	v32 =	vsel vm15, $0x1869F, v30;
	[tilespmem:$0x320] =	vst v29  }
0x53: {  	v37 =	vld [tilespmem:$0x3A0];
	vm5 =	veq.s32 v22, $0x0;
	v36 =	vadd.s32 $0xFFFFFFFF, v22;
	v35 =	vsel vm4, $0x1869F, v33;
	[tilespmem:$0x330] =	vst v32  }
0x54: {  	v40 =	vld [tilespmem:$0x3B0];
	v38 =	vsel vm5, $0x1869F, v36;
	vm6 =	veq.s32 v25, $0x0;
	v39 =	vadd.s32 $0xFFFFFFFF, v25;
	[tilespmem:$0x340] =	vst v35  }
0x55: {  	v43 =	vld [tilespmem:$0x3C0];
	vm7 =	veq.s32 v28, $0x0;
	v42 =	vadd.s32 $0xFFFFFFFF, v28;
	[tilespmem:$0x350] =	vst v38;
	v41 =	vsel vm6, $0x1869F, v39  }
0x56: {  	v46 =	vld [tilespmem:$0x3D0];
	vm8 =	veq.s32 v31, $0x0;
	v45 =	vadd.s32 $0xFFFFFFFF, v31;
	v44 =	vsel vm7, $0x1869F, v42;
	[tilespmem:$0x360] =	vst v41  }
0x57: {  	v49 =	vld [tilespmem:$0x3E0];
	vm9 =	veq.s32 v34, $0x0;
	v48 =	vadd.s32 $0xFFFFFFFF, v34;
	v47 =	vsel vm8, $0x1869F, v45;
	[tilespmem:$0x370] =	vst v44  }
0x58: {  	v52 =	vld [tilespmem:$0x3F0];
	vm10 =	veq.s32 v37, $0x0;
	v51 =	vadd.s32 $0xFFFFFFFF, v37;
	v50 =	vsel vm9, $0x1869F, v48;
	[tilespmem:$0x380] =	vst v47  }
0x59: {  	vm11 =	veq.s32 v40, $0x0;
	v54 =	vadd.s32 $0xFFFFFFFF, v40;
	v53 =	vsel vm10, $0x1869F, v51;
	[tilespmem:$0x390] =	vst v50  }
0x5a: {  	vm12 =	veq.s32 v43, $0x0;
	v56 =	vadd.s32 $0xFFFFFFFF, v43;
	v55 =	vsel vm11, $0x1869F, v54;
	[tilespmem:$0x3A0] =	vst v53  }
0x5b: {  	v57 =	vsel vm12, $0x1869F, v56;
	vm13 =	veq.s32 v46, $0x0;
	v58 =	vadd.s32 $0xFFFFFFFF, v46;
	[tilespmem:$0x3B0] =	vst v55  }
0x5c: {  	vm14 =	veq.s32 v49, $0x0;
	v60 =	vadd.s32 $0xFFFFFFFF, v49;
	[tilespmem:$0x3C0] =	vst v57;
	v59 =	vsel vm13, $0x1869F, v58  }
0x5d: {  	vm15 =	veq.s32 v52, $0x0;
	v62 =	vadd.s32 $0xFFFFFFFF, v52;
	v61 =	vsel vm14, $0x1869F, v60;
	[tilespmem:$0x3D0] =	vst v59  }
0x5e: {  	p0 =	sne.s32 s20, $0x0;
	v63 =	vsel vm15, $0x1869F, v62;
	[tilespmem:$0x3E0] =	vst v61  }
0x5f: {  	s22 =	simm.s32 @p0 $0x6;
	[tilespmem:$0x3F0] =	vst v63  }
0x60: {  	_ =	swait.ge @p0 [sflag:s22], $0x4000  }
0x61: {  	s23 =	simm.s32 @p0 $0x0;
	[sflag:s22] =	ssyncset.done @p0 $0x0  }
0x62: {  	s24 =	simm.s32 @p0 $0x400;
	[sflag:s22] =	ssyncadd.s32 @p0 $0xFFFFC000;
	s22 =	simm.s32 @p0 $0x80  }
0x63: {  	[tilespmem:s24], [sflag:$0x2] =	stream.indirect.gather @p0 [hbm4b:s3+s22], $0x40, s23, s22, $0xb8;
	[tilespmem:$0x10400] =	vst v63  }
0x64: {  	s23 =	simm.s32 @p0 $0x2400  }
0x65: {  	[tilespmem:s23], [sflag:$0x2] =	stream.indirect.gather @p0 [hbm4b:s3+s22], $0x40, s22, s22, $0xb8;
	[tilespmem:$0x10400] =	vst v63  }
0x66: {  	s23 =	simm.s32 @p0 $0x7  }
0x67: {  	_ =	swait.ge @p0 [sflag:s23], $0x4000  }
0x68: {  	[sflag:s23] =	ssyncset.done @p0 $0x0  }
0x69: {  	s24 =	simm.s32 @p0 $0x4400;
	[sflag:s23] =	ssyncadd.s32 @p0 $0xFFFFC000;
	s23 =	simm.s32 @p0 $0x100  }
0x6a: {  	[tilespmem:s24], [sflag:$0x3] =	stream.indirect.gather @p0 [hbm4b:s3+s22], $0x40, s23, s22, $0xb8;
	[tilespmem:$0x10400] =	vst v63  }
0x6b: {  	s23 =	simm.s32 @p0 $0x180;
	s24 =	simm.s32 @p0 $0x6400  }
0x6c: {  	[tilespmem:s24], [sflag:$0x3] =	stream.indirect.gather @p0 [hbm4b:s3+s22], $0x40, s23, s22, $0xb8;
	[tilespmem:$0x10400] =	vst v63  }
0x6d: {  	s23 =	simm.s32 @p0 $0x8  }
0x6e: {  	_ =	swait.ge @p0 [sflag:s23], $0x4000  }
0x6f: {  	[sflag:s23] =	ssyncset.done @p0 $0x0  }
0x70: {  	s24 =	simm.s32 @p0 $0x8400;
	[sflag:s23] =	ssyncadd.s32 @p0 $0xFFFFC000;
	s23 =	simm.s32 @p0 $0x200  }
0x71: {  	[tilespmem:s24], [sflag:$0x4] =	stream.indirect.gather @p0 [hbm4b:s3+s22], $0x40, s23, s22, $0xb8;
	[tilespmem:$0x10400] =	vst v63  }
0x72: {  	s23 =	simm.s32 @p0 $0x280;
	s24 =	simm.s32 @p0 $0xA400  }
0x73: {  	[tilespmem:s24], [sflag:$0x4] =	stream.indirect.gather @p0 [hbm4b:s3+s22], $0x40, s23, s22, $0xb8;
	[tilespmem:$0x10400] =	vst v63  }
0x74: {  	s22 =	simm.s32 @p0 $0x9  }
0x75: {  	_ =	swait.ge @p0 [sflag:s22], $0x4000  }
0x76: {  	s23 =	simm.s32 @!p0 $0x0;
	[sflag:s22] =	ssyncset.done @p0 $0x0  }
0x77: {  	s24 =	simm.s32 @!p0 $0x400;
	[sflag:s22] =	ssyncadd.s32 @p0 $0xFFFFC000;
	s22 =	simm.s32 @!p0 $0x80  }
0x78: {  	[tilespmem:s24], [sflag:$0x2] =	stream.indirect.gather @!p0 [hbm4b:s3+s22], $0x40, s23, s22, $0xb8;
	[tilespmem:$0x10400] =	vst v63  }
0x79: {  	s23 =	simm.s32 @!p0 $0x2400  }
0x7a: {  	[tilespmem:s23], [sflag:$0x2] =	stream.indirect.gather @!p0 [hbm4b:s3+s22], $0x40, s22, s22, $0xb8;
	[tilespmem:$0x10400] =	vst v63  }
0x7b: {  	s24 =	simm.s32 @!p0 $0x4400;
	s23 =	simm.s32 @!p0 $0x100  }
0x7c: {  	[tilespmem:s24], [sflag:$0x3] =	stream.indirect.gather @!p0 [hbm4b:s3+s22], $0x40, s23, s22, $0xb8;
	[tilespmem:$0x10400] =	vst v63  }
0x7d: {  	s23 =	simm.s32 @!p0 $0x180;
	s24 =	simm.s32 @!p0 $0x6400  }
0x7e: {  	[tilespmem:s24], [sflag:$0x3] =	stream.indirect.gather @!p0 [hbm4b:s3+s22], $0x40, s23, s22, $0xb8;
	[tilespmem:$0x10400] =	vst v63  }
0x7f: {  	s23 =	simm.s32 @!p0 $0x200;
	s24 =	simm.s32 @!p0 $0x8400  }
0x80: {  	[tilespmem:s24], [sflag:$0x4] =	stream.indirect.gather @!p0 [hbm4b:s3+s22], $0x40, s23, s22, $0xb8;
	[tilespmem:$0x10400] =	vst v63  }
0x81: {  	s29 =	rddreg [dreg:$0x2];
	s23 =	simm.s32 @!p0 $0x280;
	s24 =	simm.s32 @!p0 $0xA400  }
0x82: {  	[tilespmem:s24], [sflag:$0x4] =	stream.indirect.gather @!p0 [hbm4b:s3+s22], $0x40, s23, s22, $0xb8;
	[tilespmem:$0x10400] =	vst v63  }
0x83: {  	s30 =	rddreg [dreg:$0x3]  }
0x84: {  	[tilespmem:s9], [sflag:$0x5] =	stream.indirect.gather [hbm4b:s3+s8], $0x40, s29, s8, $0xb8;
	[tilespmem:$0x10400] =	vst v63  }
0x85: {  	s31 =	rddreg [dreg:$0x4]  }
0x86: {  	[tilespmem:s30], [sflag:$0x5] =	stream.indirect.gather [hbm4b:s3+s8], $0x40, s31, s8, $0xb8;
	[tilespmem:$0x10400] =	vst v63  }
0x87: {  	_ =	swait.ge [sflag:s10], $0x2000  }
0x88: {  	[sflag:s10] =	ssyncset.done $0x0  }
0x89: {  	[sflag:s10] =	ssyncadd.s32 $0xFFFFE000  }
0x8a: {  	_ =	swait.ge [sflag:s10], $0x2000  }
0x8b: {  	s25 =	rddreg [dreg:$0x5];
	[sflag:s10] =	ssyncset.done $0x0  }
0x8c: {  	s26 =	rddreg [dreg:$0x6];
	[sflag:s10] =	ssyncadd.s32 $0xFFFFE000;
	s22 =	sadd.s32 s20, s25  }
0x8d: {  	[hbm4b:s22+s11] =	stream.strided.scatter [tilespmem:s26], [sflag:$0x6], $0x4000, s8, s11, $0x38;
	[tilespmem:$0x10400] =	vst v63  }
0x8e: {  	_ =	swait.ge [sflag:s12], $0x2000  }
0x8f: {  	[sflag:s12] =	ssyncset.done $0x0  }
0x90: {  	[sflag:s12] =	ssyncadd.s32 $0xFFFFE000  }
0x91: {  	_ =	swait.ge [sflag:s12], $0x2000  }
0x92: {  	[sflag:s12] =	ssyncset.done $0x0  }
0x93: {  	s29 =	sadd.s32 $0x1000, s22;
	s28 =	rddreg [dreg:$0x7];
	[sflag:s12] =	ssyncadd.s32 $0xFFFFE000  }
0x94: {  	[hbm4b:s29+s11] =	stream.strided.scatter [tilespmem:s28], [sflag:$0x7], $0x4000, s8, s11, $0x38;
	[tilespmem:$0x10400] =	vst v63  }
0x95: {  	_ =	swait.ge [sflag:s13], $0x2000  }
0x96: {  	[sflag:s13] =	ssyncset.done $0x0  }
0x97: {  	[sflag:s13] =	ssyncadd.s32 $0xFFFFE000  }
0x98: {  	_ =	swait.ge [sflag:s13], $0x2000  }
0x99: {  	[sflag:s13] =	ssyncset.done $0x0  }
0x9a: {  	s31 =	sadd.s32 $0x2000, s22;
	s30 =	rddreg [dreg:$0x8];
	[sflag:s13] =	ssyncadd.s32 $0xFFFFE000  }
0x9b: {  	[hbm4b:s31+s11] =	stream.strided.scatter [tilespmem:s30], [sflag:$0x8], $0x4000, s8, s11, $0x38;
	[tilespmem:$0x10400] =	vst v63  }
0x9c: {  	_ =	swait.ge [sflag:s14], $0x2000  }
0x9d: {  	[sflag:s14] =	ssyncset.done $0x0  }
0x9e: {  	[sflag:s14] =	ssyncadd.s32 $0xFFFFE000  }
0x9f: {  	_ =	swait.ge [sflag:s14], $0x2000  }
0xa0: {  	p0 =	seq.s32 s20, $0x60000;
	[sflag:s14] =	ssyncset.done $0x0  }
0xa1: {  	s23 =	simm.s32 @!p0 $0x0;
	s20 =	sadd.s32 $0x4000, s20;
	[sflag:s14] =	ssyncadd.s32 $0xFFFFE000  }
0xa2: {  	[tilespmem:s23], [sflag:$0x1] =	stream.linear.gather @!p0 [hbm4b:s21+s23], $0x400, $0x38;
	[tilespmem:$0x10400] =	vst v63  }
0xa3: {  	p0 =	sne.s32 s20, $0x64000  }
.Ltmp0:
0xa4: {  	_ = 	snop;
	(pc) =	sbr.rel @p0 .LBB2_2-.Ltmp0, $3  }
0xa5: {  	_ =	sdelay $0x1  }
0xa6: {  	s22 =	sadd.s32 $0x3000, s22;
	s21 =	sadd.s32 $0x80, s21  }
0xa7: {  	[hbm4b:s22+s11] =	stream.strided.scatter [tilespmem:s9], [sflag:$0x9], $0x4000, s8, s11, $0x38;
	[tilespmem:$0x10400] =	vst v63  }
0xa8: {  	_ =	swait.ge [sflag:s15], $0x4000  }
0xa9: {  	[sflag:s15] =	ssyncset.done $0x0  }
0xaa: {  	[sflag:s15] =	ssyncadd.s32 $0xFFFFC000  }
0xab: {  	_ =	swait.ge [sflag:s16], $0x4000  }
0xac: {  	[sflag:s16] =	ssyncset.done $0x0  }
0xad: {  	s19 =	sadd.s32 $0x1, s19;
	[sflag:s16] =	ssyncadd.s32 $0xFFFFC000  }
0xae: {  	p0 =	sne.s32 s19, s5;
	_ =	swait.ge [sflag:s17], $0x4000  }
.Ltmp1:
0xaf: {  	[sflag:s17] =	ssyncset.done $0x0;
	(pc) =	sbr.rel @p0 .LBB2_1-.Ltmp1, $4  }
0xb0: {  	[sflag:s17] =	ssyncadd.s32 $0xFFFFC000  }
0xb1: {  	_ =	swait.ge [sflag:s18], $0x4000  }
0xb2: {  	[sflag:s18] =	ssyncset.done $0x0  }
0xb3: {  	[sflag:s18] =	ssyncadd.s32 $0xFFFFC000  }
0xb4: {  	_ =	sfence.sel $0x180000  }
0xb5: {  	[bflag:$0x0] =	sbarrier.arrive $0xFFFF  }
0xb6: {  	p0 =	sne.s32 s1, $0x0;
	_ =	strace $0x90000047  }
0xb7: {  	s0 =	sadd.s32 @!p0 $0x100000, s0;
	[bflag:$0x2] =	sbarrier.arrive $0xFFFF  }
0xb8: {  	[sflag:s0] =	ssyncadd.tile.s32 @!p0 $0x1;
	_ =	shalt  }
.Lfunc_end2:
_tile_overlayer_lowered:
.L_overlay_start_2:
0xb9: {  	(tag) =	ssettag $0x2  }
0xba: {  	s0 =	rddreg [dreg:$0x0];
	s2 =	stileid.u32  }
0xbb: {  	s1 =	rddreg [dreg:$0x1];
	p0 =	sne.s32 s2, $0x0  }
0xbc: {  	s3 =	rddreg [dreg:$0x2];
	[bflag:$0x3] =	sbarrier.arrive $0xFFFF;
	s2 =	simm.s32 @!p0 $0x1C0A  }
0xbd: {  	[timem:s3], [sflag:s2] =	dma.local @!p0 [hbm:s0], s1  }
0xbe: {  	s0 =	simm.s32 @!p0 $0xA  }
0xbf: {  	_ =	swait.ge @!p0 [sflag:s0], s1  }
0xc0: {  	s1 =	ssub.s32 @!p0 $0x0, s1;
	[sflag:s0] =	ssyncset.done @!p0 $0x0  }
0xc1: {  	[sflag:s0] =	ssyncadd.s32 @!p0 s1  }
0xc2: {  	[bflag:$0x3] =	sbarrier.arrive $0xFFFF  }
0xc3: {  	_ =	shalt  }

// kernel: sparse-core-data-format-call.cloned.1.call-start
scs
called_computation_lowered:
.L_overlay_start_0:
0x0: {  	s2 =	sld [smem:$0x3FD9]  }
0x1: {  	s3 =	sld [smem:$0x3FFE];
	_ =	sdelay $0x1  }
0x2: {  	s1 =	srdreg.scid  }
0x3: {  	s0 =	sand.u32 $0x1, s1  }
0x4: {  	s18 =	sshll.u32 s0, $0xA;
	s2 =	sadd.s32 s3, s2  }
0x5: {  	s2 =	sadd.s32 s2, s18  }
0x6: {  	[smem:$0x3FC6] =	sst s2  }
0x7: {  	_ = 	snop  }
0x8: {  	s2 =	sld [smem:$0x3FD0];
	(tm) =	ssettm $0x1  }
0x9: {  	s19 =	sld [smem:$0x3FFB];
	_ =	sdelay $0x3  }
0xa: {  	_ =	strace s19  }
0xb: {  	s3 =	sld [smem:$0x3FFC];
	_ =	sdelay $0x3  }
0xc: {  	_ =	strace s3  }
0xd: {  	s3 =	sld [smem:$0x3FFD];
	_ =	sdelay $0x3  }
0xe: {  	_ =	strace s3  }
0xf: {  	_ =	strace $0x8FFFFFFF  }
0x10: {  	s20 =	sld [smem:$0x3FDB];
	_ =	sdelay $0x1  }
0x11: {  	s4 =	simm.s32 $_scs_section_size  }
0x12: {  	s5 =	simm.s32 $_size__tile_overlayer_lowered;
	s6 =	simm.s32 $_tile_overlayer_lowered  }
0x13: {  	s23 =	simm.s32 $0x1BFF;
	s22 =	sshll.u32 s6, $0x1;
	s3 =	sadd.s32 s4, s20  }
0x14: {  	s7 =	simm.s32 $0x0;
	s21 =	sshll.u32 s5, $0x1;
	s5 =	sadd.s32 s22, s3  }
0x15: {  	[timem:s7], [sflag:s23] =	dma.local [hbm:s5], s21  }
0x16: {  	_ =	swait.ge [sflag:s23], s21  }
0x17: {  	s4 =	ssub.s32 $0x0, s21;
	[sflag:s23] =	ssyncset.done $0x0  }
0x18: {  	[sflag:s23] =	ssyncadd.s32 s4;
	_ =	sdelay $0x1  }
0x19: {  	s24 =	simm.s32 $0x1B8B  }
0x1a: {  	_ =	swait.ge [sflag:s24], $0x1  }
0x1b: {  	[sflag:s24] =	ssyncset.done $0x0  }
0x1c: {  	s26 =	simm.s32 $0x1B8E;
	s25 =	sld [smem:$0x3FFE];
	[sflag:s24] =	ssyncadd.s32 $0xFFFFFFFF  }
0x1d: {  	s27 =	simm.s32 $execute0_lowered;
	[smem:$0x3FD2] =	sst s26  }
0x1e: {  	s5 =	sshll.u32 s27, $0x1;
	_ =	strace $0x80000049;
	[dreg:$0x1] =	wrdreg $0xFFFFFFFF  }
0x1f: {  	s28 =	simm.s32 $_size_execute0_lowered;
	s3 =	sadd.s32 s3, s5;
	[dreg:$0x0] =	wrdreg $0x0  }
0x20: {  	s5 =	sshll.u32 s28, $0x1;
	[dreg:$0x2] =	wrdreg s3  }
0x21: {  	[dreg:$0x3] =	wrdreg s5  }
0x22: {  	[dreg:$0x4] =	wrdreg $0xC0  }
0x23: {  	_ =	task [dreg:s7], $0x5FFFF  }
0x24: {  	[dreg:$0x1] =	wrdreg $0xFFFFFFFF  }
0x25: {  	[dreg:$0x0] =	wrdreg $0x60  }
0x26: {  	[dreg:$0x2] =	wrdreg s25  }
0x27: {  	[dreg:$0x3] =	wrdreg s2  }
0x28: {  	[dreg:$0x4] =	wrdreg $0x9  }
0x29: {  	_ =	task.clear_ibuf [dreg:s7], $0x5FFFF;
	_ =	strace $0x90000049  }
0x2a: {  	s29 =	simm.s32 $0x9;
	_ =	strace $0x8000004B  }
0x2b: {  	_ =	swait.ge [sflag:s29], $0x1  }
0x2c: {  	[sflag:s29] =	ssyncadd.s32 $0xFFFFFFFF  }
0x2d: {  	_ =	strace $0x9000004B  }
0x2e: {  	_ =	sfence  }
0x2f: {  	s30 =	sld [smem:$0x0];
	_ =	sdelay $0x2  }
0x30: {  	s31 =	sshll.u32 s1, $0xD;
	s1 =	sshrl.u32 s1, $0x2  }
0x31: {  	s3 =	sand.u32 $0x4000, s31;
	s1 =	sadd.s32 s1, s30  }
0x32: {  	s0 =	sor.u32 s3, s0;
	s1 =	sshll.u32 s1, $0x11  }
0x33: {  	s0 =	sor.u32 s1, s0  }
0x34: {  	s0 =	sadd.s32 $0x8F2B, s0  }
0x35: {  	[sflag:s0] =	ssyncadd.remote.s32 $0x1  }
0x36: {  	_ =	sfence.sel $0xFFFF  }
0x37: {  	[dreg:$0x0] =	wrdreg $0xFFFFFFFF;
	(pc) =	sbr.abs _section_cstart, $3  }
0x38: {  	[dreg:$0x1] =	wrdreg $0xFFFFFFFF  }
0x39: {  	_ =	task.clear_ibuf [dreg:s7], $0x2FFFF;
	_ =	strace $0x9FFFFFFF  }
0x3a: {  	(tm) =	ssettm $0x7FFFFFFF  }
0x3b: {  	_ =	shalt  }
tec
execute0_lowered:
.L_overlay_start_1:
0x0: {  	(tag) =	ssettag $0x1  }
0x1: {  	s0 =	srdreg.scid  }
0x2: {  	s1 =	sshll.u32 s0, $0x4  }
0x3: {  	s0 =	stileid.u32;
	s1 =	sand.u32 $0x10, s1  }
0x4: {  	s1 =	sor.u32 s0, s1  }
0x5: {  	s6 =	rddreg [dreg:$0x0];
	s4 =	simm.s32 $0x1;
	s2 =	sshll.u32 s1, $0x7  }
0x6: {  	s7 =	simm.s32 $0x2;
	s12 =	simm.s32 $0x0;
	s1 =	ssub.s32 $0x1000, s2  }
0x7: {  	s8 =	simm.s32 $0x8000;
	s13 =	simm.s32 $0x0;
	s3 =	sand.u32 $0xF80, s1  }
0x8: {  	s9 =	simm.s32 $0x0;
	s5 =	sshrl.u32 s1, $0xC;
	p0 =	sne.s32 s3, $0x0  }
.Ltmp0:
0x9: {  	s1 =	rddreg [dreg:$0x2];
	s4 =	simm.s32 @!p0 $0x0;
	(pc) =	sbr.rel .LBB1_1-.Ltmp0, $4  }
0xa: {  	s11 =	simm.s32 $0x0;
	s3 =	rddreg [dreg:$0x1];
	s5 =	sadd.s32 s4, s5  }
0xb: {  	_ =	strace $0x8000004A;
	s4 =	simm.s32 $0x1;
	s5 =	smul.u32 $0xC8, s5  }
0xc: {  	s6 =	sadd.s32 $0xDCE00, s6;
	s10 =	smov.u32 s2;
	[sflag:s4] =	ssyncpa.u1 $0x0  }
0xd: {  	p0 =	por $0x0, $0x0;
	[sflag:s7] =	ssyncpa.u1 $0x0;
	s7 =	sor.u32 $0x1, s5  }
.LBB1_4:
0xe: {  	s16 =	sshll.u32 s13, $0x3;
	s17 =	sand.u32 $0x78, s13  }
0xf: {  	s30 =	sand.u32 $0x7E00, s13;
	s12 =	sshll.u32 s12, $0xF;
	s16 =	sand.u32 $0xC00, s16  }
0x10: {  	[tilespmem:s15+$0x810 ss:$0x81] =	vst.msk $0xffff, v2;
	s31 =	sand.u32 $0x7, s13;
	s16 =	sor.u32 s17, s16;
	s17 =	sadd.s32 s3, s30  }
0x11: {  	[tilespmem:s15+$0x1020 ss:$0x81] =	vst.msk $0xffff, v0;
	s13 =	sshll.u32 s31, $0x12;
	s12 =	sadd.s32 s12, s17;
	s16 =	sshrl.u32 s16, $0x3  }
0x12: {  	[tilespmem:s15+$0x0 ss:$0x81] =	vst.msk $0xffff, v1;
	s13 =	sor.u32 $0x400, s13;
	s12 =	sadd.s32 s16, s12  }
0x13: {  	[hbm4b:s12+s13] =	stream.strided.scatter [tilespmem:s14], [sflag:$0x2], $0x2000, s8, s13, $0x20;
	[tilespmem:$0x8080] =	vst v63  }
.LBB1_5:
0x14: {  	s14 =	sadd.s32 $0x1, s9  }
0x15: {  	s12 =	sadd.s32 $0x1000, s10;
	s16 =	smov.u32 s10;
	p2 =	sgt.s32 s14, $0xC7  }
0x16: {  	s16 =	smov.u32 @p2 s12  }
0x17: {  	s14 =	simm.s32 @p2 $0x0;
	p2 =	sgt.s32 s16, $0xFFF  }
0x18: {  	s16 =	smov.u32 @p2 s2;
	p2 =	sne.s32 s11, s7  }
.Ltmp1:
0x19: {  	p1 =	slt.u32 s11, $0x2;
	(pc) =	sbr.rel @!p2 .LBB1_6-.Ltmp1, $4  }
0x1a: {  	s15 =	simm.s32 @!p1 $0x2  }
0x1b: {  	s13 =	smov.u32 s10;
	p0 =	por !p0, !p0;
	_ =	swait.ge @!p1 [sflag:s15], $0x2000  }
0x1c: {  	s12 =	smov.u32 s9;
	[sflag:s15] =	ssyncset.done @!p1 $0x0;
	s9 =	smov.u32 s14  }
0x1d: {  	s11 =	sadd.s32 $0x1, s11;
	[sflag:s15] =	ssyncadd.s32 @!p1 $0xFFFFE000;
	s10 =	smov.u32 s16  }
.LBB1_1:
0x1e: {  	p1 =	sge.u32 s11, s5  }
0x1f: {  	s14 =	sand.u32 @!p1 $0x1FFFFFF, s9  }
0x20: {  	s15 =	smulhi.u32 @!p1 $0x147AE15, s14;
	_ =	sdelay $0x1  }
0x21: {  	s15 =	smul.u32 @!p1 $0xC8, s15  }
0x22: {  	s16 =	sxor.u32 @!p1 $0xFFFFFFFF, s11;
	s17 =	smul.u32 @!p1 $0xC80, s10  }
0x23: {  	s31 =	sadd.s32 $0xFFFFFFFF, s11;
	s16 =	sshll.u32 @!p1 s16, $0xD;
	s14 =	ssub.s32 @!p1 s14, s15  }
0x24: {  	s15 =	sand.u32 @!p1 $0x2000, s16;
	s16 =	sadd.s32 @!p1 s6, s17;
	s14 =	sshll.u32 @!p1 s14, $0x4  }
0x25: {  	s17 =	simm.s32 @!p1 $0x6400;
	s14 =	sadd.s32 @!p1 s14, s16;
	s16 =	simm.s32 @!p1 $0x40  }
0x26: {  	[tilespmem:s15], [sflag:$0x1] =	stream.strided.gather @!p1 [hbm4b:s14+s16], $0x2000, s17, s16, $0x38;
	[tilespmem:$0x8080] =	vst v63  }
0x27: {  	p1 =	sge.u32 s31, s5  }
.Ltmp2:
0x28: {  	_ = 	snop;
	(pc) =	sbr.rel @p1 .LBB1_5-.Ltmp2, $1  }
0x29: {  	_ =	sdelay $0x3  }
0x2a: {  	s14 =	simm.s32 $0x1  }
0x2b: {  	_ =	swait.ge [sflag:s4], $0x2000;
	s14 =	simm.s32 @!p0 $0x0  }
0x2c: {  	[sflag:s4] =	ssyncset.done $0x0;
	s15 =	sshll.u32 s14, $0xD  }
0x2d: {  	[sflag:s4] =	ssyncadd.s32 $0xFFFFE000;
	s18 =	sor.u32 $0x20, s15  }
0x2e: {  	s14 =	smul.u32 $0x8100, s14;
	v3 =	vld [tilespmem:s18+$0x10]  }
0x2f: {  	s30 =	sand.u32 $0x1, s11;
	v2 =	vld [tilespmem:s18+$0xFFFFFFF0]  }
0x30: {  	s15 =	smul.u32 $0x8100, s30;
	s14 =	sshrl.u32 s14, $0x2;
	v0 =	vld [tilespmem:s18+$0x0]  }
0x31: {  	v1 =	vld [tilespmem:s18+$0xFFFFFFE0];
	s16 =	sor.u32 $0x4000, s14  }
0x32: {  	s31 =	sshrl.u32 s15, $0x2;
	s15 =	sadd.s32 $0x0, s16  }
0x33: {  	s17 =	simm.s32 $0x4;
	s18 =	sadd.s32 $0x40, s18;
	s14 =	sor.u32 $0x4000, s31;
	[tilespmem:s15+$0x1830 ss:$0x81] =	vst.msk $0xffff, v3  }
.LBB1_3:
0x34: {  	v3 =	vld [tilespmem:s18+$0x10];
	p1 =	sne.s32 s17, $0x1FC;
	[tilespmem:s15+$0x810 ss:$0x81] =	vst.msk $0xffff, v2;
	s19 =	smov.u32 s17;
	s17 =	sadd.s32 $0x4, s17  }
.Ltmp3:
0x35: {  	v2 =	vld [tilespmem:s18+$0xFFFFFFF0];
	[tilespmem:s15+$0x1020 ss:$0x81] =	vst.msk $0xffff, v0;
	(pc) =	sbr.rel @p1 .LBB1_3-.Ltmp3, $4  }
0x36: {  	v0 =	vld [tilespmem:s18+$0x0];
	[tilespmem:s15+$0x0 ss:$0x81] =	vst.msk $0xffff, v1  }
0x37: {  	s15 =	sshra.s32 s19, $0x2;
	v1 =	vld [tilespmem:s18+$0xFFFFFFE0]  }
0x38: {  	s15 =	sadd.s32 s15, s16  }
0x39: {  	s18 =	sadd.s32 $0x40, s18;
	[tilespmem:s15+$0x1830 ss:$0x81] =	vst.msk $0xffff, v3  }
.Ltmp4:
0x3a: {  	_ = 	snop;
	(pc) =	sbr.rel .LBB1_4-.Ltmp4, $1  }
0x3b: {  	_ =	sdelay $0x3  }
.LBB1_6:
0x3c: {  	_ =	sfence.sel $0x180000  }
0x3d: {  	s2 =	simm.s32 $0x1;
	[bflag:$0x0] =	sbarrier.arrive $0xFFFF  }
0x3e: {  	s31 =	simm.s32 $0x2;
	[sflag:s2] =	ssyncpa.u1 $0x1  }
0x3f: {  	[sflag:s31] =	ssyncpa.u1 $0x1  }
0x40: {  	p0 =	sne.s32 s0, $0x0;
	_ =	strace $0x9000004A  }
0x41: {  	s0 =	sadd.s32 @!p0 $0x100000, s1;
	[bflag:$0x2] =	sbarrier.arrive $0xFFFF  }
0x42: {  	[sflag:s0] =	ssyncadd.tile.s32 @!p0 $0x1;
	_ =	shalt  }
.Lfunc_end1:
_tile_overlayer_lowered:
.L_overlay_start_2:
0x43: {  	(tag) =	ssettag $0x2  }
0x44: {  	s0 =	rddreg [dreg:$0x0];
	s2 =	stileid.u32  }
0x45: {  	s1 =	rddreg [dreg:$0x1];
	p0 =	sne.s32 s2, $0x0  }
0x46: {  	s3 =	rddreg [dreg:$0x2];
	[bflag:$0x3] =	sbarrier.arrive $0xFFFF;
	s2 =	simm.s32 @!p0 $0x1C01  }
0x47: {  	[timem:s3], [sflag:s2] =	dma.local @!p0 [hbm:s0], s1  }
0x48: {  	s0 =	simm.s32 @!p0 $0x1  }
0x49: {  	_ =	swait.ge @!p0 [sflag:s0], s1  }
0x4a: {  	s1 =	ssub.s32 @!p0 $0x0, s1;
	[sflag:s0] =	ssyncset.done @!p0 $0x0  }
0x4b: {  	[sflag:s0] =	ssyncadd.s32 @!p0 s1  }
0x4c: {  	[bflag:$0x3] =	sbarrier.arrive $0xFFFF  }
0x4d: {  	_ =	shalt  }

</sc_bundles>
